<compile_context>
chip_gen: v7x
topology: tpu7x:2x2x1
jax: 0.10.2.dev20260603
libtpu: 0.0.44.dev20260713+nightly
codegen_flags: <defaults>
</compile_context>

<pallas_src>
import functools

import jax
import jax.numpy as jnp
from jax import lax
from jax.experimental import pallas as pl
from jax.experimental.pallas import tpu as pltpu
from jax.experimental.pallas import tpu_sc as plsc

N_NODES = 10000
N_EDGES = 320000
D_FEAT = 128
N_CLASSES = 64

NC, NS = 2, 16
CB = N_CLASSES // NC
CHUNK = 128
NCH = 160
E_PK = NS * NCH * CHUNK
PADE = E_PK - N_EDGES
N_PAD = 10240
RPT = N_PAD // NS
DEPTH = 8
NG = NCH // DEPTH



def _mm_body(feat_ref, w_ref, o_ref):
    for h in range(NC):
        o_ref[h, :N_NODES] = lax.dot_general(
            feat_ref[...], w_ref[h * CB:(h + 1) * CB],
            (((1,), (1,)), ((), ())),
            preferred_element_type=jnp.float32,
        )
        o_ref[h, N_NODES:] = jnp.zeros((N_PAD - N_NODES, CB), jnp.float32)


def _tc_matmul(feat, W):
    return pl.pallas_call(
        _mm_body,
        out_shape=jax.ShapeDtypeStruct((NC, N_PAD, CB), jnp.float32),
    )(feat, W)



def _make_sc_sgc():
    mesh = plsc.VectorSubcoreMesh(core_axis_name="c", subcore_axis_name="s")
    scratch = (
        [pltpu.VMEM_SHARED((N_PAD, CB), jnp.float32)] * 2
        + [pltpu.VMEM((2, CHUNK), jnp.int32)] * DEPTH
        + [pltpu.VMEM((CHUNK, CB), jnp.float32)] * DEPTH
        + [pltpu.SemaphoreType.DMA] * (4 + 3 * DEPTH)
    )

    @functools.partial(
        pl.kernel,
        out_type=jax.ShapeDtypeStruct((NC, N_PAD, CB), jnp.float32),
        mesh=mesh,
        scratch_types=scratch,
        compiler_params=pltpu.CompilerParams(use_tc_tiling_on_sc=False),
    )
    def run(y_hbm, z_hbm, b_hbm, epk_hbm, out_hbm, y_sh, acc_sh, *rest):
        idx2 = rest[:DEPTH]
        rows = rest[DEPTH:2 * DEPTH]
        sem_y, sem_z, sem_b, sem_w = rest[2 * DEPTH:2 * DEPTH + 4]
        k = 2 * DEPTH + 4
        sem_i = rest[k:k + DEPTH]
        sem_g = rest[k + DEPTH:k + 2 * DEPTH]
        sem_s = rest[k + 2 * DEPTH:]

        cid = lax.axis_index("c")
        sid = lax.axis_index("s")
        r0 = sid * RPT

        def prefetch_first():
            for j in range(DEPTH):
                pltpu.async_copy(epk_hbm.at[sid, j], idx2[j], sem_i[j])

        def edge_pass(src_sh, dst_sh):
            def grp(g, carry):
                gd = []
                for j in range(DEPTH):
                    pltpu.make_async_copy(epk_hbm.at[sid, 0], idx2[j],
                                          sem_i[j]).wait()
                    gd.append(pltpu.async_copy(src_sh.at[idx2[j].at[0]],
                                               rows[j], sem_g[j]))
                sd = []
                for j in range(DEPTH):
                    gd[j].wait()
                    sd.append(pltpu.async_copy(rows[j],
                                               dst_sh.at[idx2[j].at[1]],
                                               sem_s[j], add=True))
                for j in range(DEPTH):
                    sd[j].wait()

                @pl.when(g < NG - 1)
                def _():
                    for j in range(DEPTH):
                        pltpu.async_copy(epk_hbm.at[sid, (g + 1) * DEPTH + j],
                                         idx2[j], sem_i[j])

                return carry

            lax.fori_loop(0, NG, grp, 0)

        dy = pltpu.async_copy(y_hbm.at[cid, pl.ds(r0, RPT)],
                              y_sh.at[pl.ds(r0, RPT)], sem_y)
        dz = pltpu.async_copy(z_hbm.at[pl.ds(r0, RPT)],
                              acc_sh.at[pl.ds(r0, RPT)], sem_z)
        prefetch_first()
        dy.wait()
        dz.wait()
        plsc.subcore_barrier()

        edge_pass(y_sh, acc_sh)
        plsc.subcore_barrier()

        db = pltpu.async_copy(b_hbm.at[cid, pl.ds(r0, RPT)],
                              y_sh.at[pl.ds(r0, RPT)], sem_b)
        prefetch_first()
        db.wait()
        plsc.subcore_barrier()

        edge_pass(acc_sh, y_sh)
        plsc.subcore_barrier()

        pltpu.async_copy(y_sh.at[pl.ds(r0, RPT)],
                         out_hbm.at[cid, pl.ds(r0, RPT)], sem_w).wait()

    return run


_sc_sgc = _make_sc_sgc()


def kernel(feat, edge_index, W, b):
    fill = jnp.arange(PADE, dtype=jnp.int32) % (N_PAD - N_NODES)
    srcp = jnp.concatenate([edge_index[0], fill])
    dstp = jnp.concatenate([edge_index[1], N_NODES + fill])
    epk = jnp.stack([srcp.reshape(NS, NCH, CHUNK),
                     dstp.reshape(NS, NCH, CHUNK)], axis=2)
    z = jnp.zeros((N_PAD, CB), jnp.float32)
    bimg = jnp.broadcast_to(b.reshape(NC, 1, CB), (NC, N_PAD, CB))

    y0 = _tc_matmul(feat, W)
    q = _sc_sgc(y0, z, bimg, epk)
    return jnp.concatenate([q[0, :N_NODES], q[1, :N_NODES]], axis=1)

# --- scband reference (transcript-rebuilt; emitter-appended) ---
"""Pipeline reference for scband-sgc-63677185130849 (READ-ONLY COPY).

The authoritative reference and input builder live on the scoring server;
editing this copy changes nothing except your own understanding.
"""

import jax, jax.numpy as jnp
import numpy as np

N_NODES = 10000
N_EDGES = 320000
D_FEAT = 128
N_CLASSES = 64
K = 2  # number of propagation hops (SGC power of adjacency)


def setup_inputs(seed: int = 0) -> dict:
    key = jax.random.key(seed)
    k1, k2, k3 = jax.random.split(key, 3)
    feat = jax.random.normal(k1, (N_NODES, D_FEAT), dtype=jnp.float32)
    edge_index = jax.random.randint(k2, (2, N_EDGES), 0, N_NODES, dtype=jnp.int64 if jax.config.jax_enable_x64 else jnp.int32).astype(jnp.int32)
    # Linear layer params (xavier_uniform weight, zero bias), W: [n_classes, in_feats]
    limit = float(np.sqrt(6.0 / (D_FEAT + N_CLASSES)))
    W = jax.random.uniform(k3, (N_CLASSES, D_FEAT), minval=-limit, maxval=limit, dtype=jnp.float32)
    b = jnp.zeros((N_CLASSES,), dtype=jnp.float32)
    return {"feat": feat, "edge_index": edge_index, "W": W, "b": b}


def reference(feat, edge_index, W, b):
    # SGC forward: h = A^K @ feat, then linear layer.
    # adj^K @ feat is computed as K rounds of sparse message passing:
    #   h_new[dst] = sum over edges (src -> dst) of h[src]
    src = edge_index[0]
    dst = edge_index[1]
    h = feat
    for _ in range(K):
        msgs = jnp.take(h, src, axis=0)          # gather (SparseCore gather)
        h = jax.ops.segment_sum(msgs, dst, num_segments=N_NODES)  # scatter-add
    # fc: h @ W.T + b
    out = h @ W.T + b
    return out

if __name__ == "__main__":
    import jax
    _d = setup_inputs()
    print(jax.jit(kernel)(*tuple(_d.values())))

</pallas_src>

<mosaic_0001>
#map = affine_map<(d0, d1) -> (0, 0, 0)>
#map1 = affine_map<(d0, d1) -> (0, 0)>
#map2 = affine_map<(d0, d1) -> (0, 0, 0, 0)>
module attributes {stable_mosaic.version = 14 : i64} {
  func.func @run(%arg0: i32, %arg1: i32, %arg2: memref<2x10240x32xf32, #tpu.memory_space<hbm>>, %arg3: memref<10240x32xf32, #tpu.memory_space<hbm>>, %arg4: memref<2x10240x32xf32, #tpu.memory_space<hbm>>, %arg5: memref<16x160x2x128xi32, #tpu.memory_space<hbm>>, %arg6: memref<2x10240x32xf32, #tpu.memory_space<hbm>>, %arg7: memref<10240x32xf32, #tpu.memory_space<vmem_shared>>, %arg8: memref<10240x32xf32, #tpu.memory_space<vmem_shared>>, %arg9: memref<2x128xi32, #tpu.memory_space<vmem>>, %arg10: memref<2x128xi32, #tpu.memory_space<vmem>>, %arg11: memref<2x128xi32, #tpu.memory_space<vmem>>, %arg12: memref<2x128xi32, #tpu.memory_space<vmem>>, %arg13: memref<2x128xi32, #tpu.memory_space<vmem>>, %arg14: memref<2x128xi32, #tpu.memory_space<vmem>>, %arg15: memref<2x128xi32, #tpu.memory_space<vmem>>, %arg16: memref<2x128xi32, #tpu.memory_space<vmem>>, %arg17: memref<128x32xf32, #tpu.memory_space<vmem>>, %arg18: memref<128x32xf32, #tpu.memory_space<vmem>>, %arg19: memref<128x32xf32, #tpu.memory_space<vmem>>, %arg20: memref<128x32xf32, #tpu.memory_space<vmem>>, %arg21: memref<128x32xf32, #tpu.memory_space<vmem>>, %arg22: memref<128x32xf32, #tpu.memory_space<vmem>>, %arg23: memref<128x32xf32, #tpu.memory_space<vmem>>, %arg24: memref<128x32xf32, #tpu.memory_space<vmem>>, %arg25: memref<!tpu.dma_semaphore, #tpu.memory_space<semaphore_mem>>, %arg26: memref<!tpu.dma_semaphore, #tpu.memory_space<semaphore_mem>>, %arg27: memref<!tpu.dma_semaphore, #tpu.memory_space<semaphore_mem>>, %arg28: memref<!tpu.dma_semaphore, #tpu.memory_space<semaphore_mem>>, %arg29: memref<!tpu.dma_semaphore, #tpu.memory_space<semaphore_mem>>, %arg30: memref<!tpu.dma_semaphore, #tpu.memory_space<semaphore_mem>>, %arg31: memref<!tpu.dma_semaphore, #tpu.memory_space<semaphore_mem>>, %arg32: memref<!tpu.dma_semaphore, #tpu.memory_space<semaphore_mem>>, %arg33: memref<!tpu.dma_semaphore, #tpu.memory_space<semaphore_mem>>, %arg34: memref<!tpu.dma_semaphore, #tpu.memory_space<semaphore_mem>>, %arg35: memref<!tpu.dma_semaphore, #tpu.memory_space<semaphore_mem>>, %arg36: memref<!tpu.dma_semaphore, #tpu.memory_space<semaphore_mem>>, %arg37: memref<!tpu.dma_semaphore, #tpu.memory_space<semaphore_mem>>, %arg38: memref<!tpu.dma_semaphore, #tpu.memory_space<semaphore_mem>>, %arg39: memref<!tpu.dma_semaphore, #tpu.memory_space<semaphore_mem>>, %arg40: memref<!tpu.dma_semaphore, #tpu.memory_space<semaphore_mem>>, %arg41: memref<!tpu.dma_semaphore, #tpu.memory_space<semaphore_mem>>, %arg42: memref<!tpu.dma_semaphore, #tpu.memory_space<semaphore_mem>>, %arg43: memref<!tpu.dma_semaphore, #tpu.memory_space<semaphore_mem>>, %arg44: memref<!tpu.dma_semaphore, #tpu.memory_space<semaphore_mem>>, %arg45: memref<!tpu.dma_semaphore, #tpu.memory_space<semaphore_mem>>, %arg46: memref<!tpu.dma_semaphore, #tpu.memory_space<semaphore_mem>>, %arg47: memref<!tpu.dma_semaphore, #tpu.memory_space<semaphore_mem>>, %arg48: memref<!tpu.dma_semaphore, #tpu.memory_space<semaphore_mem>>, %arg49: memref<!tpu.dma_semaphore, #tpu.memory_space<semaphore_mem>>, %arg50: memref<!tpu.dma_semaphore, #tpu.memory_space<semaphore_mem>>, %arg51: memref<!tpu.dma_semaphore, #tpu.memory_space<semaphore_mem>>, %arg52: memref<!tpu.dma_semaphore, #tpu.memory_space<semaphore_mem>>) attributes {dimension_semantics = [#tpu.dimension_semantics<core_parallel>, #tpu.dimension_semantics<subcore_parallel>], iteration_bounds = array<i64: 2, 16>, scalar_prefetch = 0 : i64, scratch_operands = 46 : i64, tpu.core_type = #tpu.core_type<sc_vector_subcore>, window_params = [{transform_indices = #map}, {transform_indices = #map1}, {transform_indices = #map}, {transform_indices = #map2}, {transform_indices = #map}]} {
    %mul3A = arith.constant 640 : i32
    %mul3A_0 = arith.muli %arg1, %mul3A : i32
    %dma_start3A = arith.constant 0 : i32
    %dma_start3A_1 = tpu.memref_slice %arg7[%mul3A_0, %dma_start3A] : memref<10240x32xf32, #tpu.memory_space<vmem_shared>> -> memref<640x32xf32, #tpu.memory_space<vmem_shared>>
    %dma_start3A_2 = arith.constant 0 : i32
    %dma_start3A_3 = tpu.memref_slice %arg2[%arg0, %mul3A_0, %dma_start3A_2] : memref<2x10240x32xf32, #tpu.memory_space<hbm>> -> memref<1x640x32xf32, #tpu.memory_space<hbm>>
    %dma_start3A_4 = tpu.memref_squeeze %dma_start3A_3 : memref<1x640x32xf32, #tpu.memory_space<hbm>> -> memref<640x32xf32, #tpu.memory_space<hbm>>
    tpu.enqueue_dma source(%dma_start3A_4 : memref<640x32xf32, #tpu.memory_space<hbm>>) target(%dma_start3A_1 : memref<640x32xf32, #tpu.memory_space<vmem_shared>>) target_semaphore(%arg25 : memref<!tpu.dma_semaphore, #tpu.memory_space<semaphore_mem>>)
    %dma_start3A_5 = arith.constant 0 : i32
    %dma_start3A_6 = tpu.memref_slice %arg8[%mul3A_0, %dma_start3A_5] : memref<10240x32xf32, #tpu.memory_space<vmem_shared>> -> memref<640x32xf32, #tpu.memory_space<vmem_shared>>
    %dma_start3A_7 = arith.constant 0 : i32
    %dma_start3A_8 = tpu.memref_slice %arg3[%mul3A_0, %dma_start3A_7] : memref<10240x32xf32, #tpu.memory_space<hbm>> -> memref<640x32xf32, #tpu.memory_space<hbm>>
    tpu.enqueue_dma source(%dma_start3A_8 : memref<640x32xf32, #tpu.memory_space<hbm>>) target(%dma_start3A_6 : memref<640x32xf32, #tpu.memory_space<vmem_shared>>) target_semaphore(%arg26 : memref<!tpu.dma_semaphore, #tpu.memory_space<semaphore_mem>>)
    %dma_start3A_9 = arith.constant 0 : i32
    %dma_start3A_10 = arith.constant 0 : i32
    %dma_start3A_11 = arith.constant 0 : i32
    %dma_start3A_12 = tpu.memref_slice %arg5[%arg1, %dma_start3A_9, %dma_start3A_10, %dma_start3A_11] : memref<16x160x2x128xi32, #tpu.memory_space<hbm>> -> memref<1x1x2x128xi32, #tpu.memory_space<hbm>>
    %dma_start3A_13 = tpu.memref_squeeze %dma_start3A_12 : memref<1x1x2x128xi32, #tpu.memory_space<hbm>> -> memref<2x128xi32, #tpu.memory_space<hbm>>
    %dma_start3A_14 = arith.constant 0 : i32
    %dma_start3A_15 = arith.constant 0 : i32
    %dma_start3A_16 = tpu.memref_slice %arg5[%arg1, %dma_start3A_9, %dma_start3A_14, %dma_start3A_15] : memref<16x160x2x128xi32, #tpu.memory_space<hbm>> -> memref<1x1x2x128xi32, #tpu.memory_space<hbm>>
    %dma_start3A_17 = tpu.memref_squeeze %dma_start3A_16 : memref<1x1x2x128xi32, #tpu.memory_space<hbm>> -> memref<2x128xi32, #tpu.memory_space<hbm>>
    tpu.enqueue_dma source(%dma_start3A_17 : memref<2x128xi32, #tpu.memory_space<hbm>>) target(%arg9 : memref<2x128xi32, #tpu.memory_space<vmem>>) target_semaphore(%arg29 : memref<!tpu.dma_semaphore, #tpu.memory_space<semaphore_mem>>)
    %dma_start3A_18 = arith.constant 1 : i32
    %dma_start3A_19 = arith.constant 0 : i32
    %dma_start3A_20 = arith.constant 0 : i32
    %dma_start3A_21 = tpu.memref_slice %arg5[%arg1, %dma_start3A_18, %dma_start3A_19, %dma_start3A_20] : memref<16x160x2x128xi32, #tpu.memory_space<hbm>> -> memref<1x1x2x128xi32, #tpu.memory_space<hbm>>
    %dma_start3A_22 = tpu.memref_squeeze %dma_start3A_21 : memref<1x1x2x128xi32, #tpu.memory_space<hbm>> -> memref<2x128xi32, #tpu.memory_space<hbm>>
    %dma_start3A_23 = arith.constant 0 : i32
    %dma_start3A_24 = arith.constant 0 : i32
    %dma_start3A_25 = tpu.memref_slice %arg5[%arg1, %dma_start3A_18, %dma_start3A_23, %dma_start3A_24] : memref<16x160x2x128xi32, #tpu.memory_space<hbm>> -> memref<1x1x2x128xi32, #tpu.memory_space<hbm>>
    %dma_start3A_26 = tpu.memref_squeeze %dma_start3A_25 : memref<1x1x2x128xi32, #tpu.memory_space<hbm>> -> memref<2x128xi32, #tpu.memory_space<hbm>>
    tpu.enqueue_dma source(%dma_start3A_26 : memref<2x128xi32, #tpu.memory_space<hbm>>) target(%arg10 : memref<2x128xi32, #tpu.memory_space<vmem>>) target_semaphore(%arg30 : memref<!tpu.dma_semaphore, #tpu.memory_space<semaphore_mem>>)
    %dma_start3A_27 = arith.constant 2 : i32
    %dma_start3A_28 = arith.constant 0 : i32
    %dma_start3A_29 = arith.constant 0 : i32
    %dma_start3A_30 = tpu.memref_slice %arg5[%arg1, %dma_start3A_27, %dma_start3A_28, %dma_start3A_29] : memref<16x160x2x128xi32, #tpu.memory_space<hbm>> -> memref<1x1x2x128xi32, #tpu.memory_space<hbm>>
    %dma_start3A_31 = tpu.memref_squeeze %dma_start3A_30 : memref<1x1x2x128xi32, #tpu.memory_space<hbm>> -> memref<2x128xi32, #tpu.memory_space<hbm>>
    %dma_start3A_32 = arith.constant 0 : i32
    %dma_start3A_33 = arith.constant 0 : i32
    %dma_start3A_34 = tpu.memref_slice %arg5[%arg1, %dma_start3A_27, %dma_start3A_32, %dma_start3A_33] : memref<16x160x2x128xi32, #tpu.memory_space<hbm>> -> memref<1x1x2x128xi32, #tpu.memory_space<hbm>>
    %dma_start3A_35 = tpu.memref_squeeze %dma_start3A_34 : memref<1x1x2x128xi32, #tpu.memory_space<hbm>> -> memref<2x128xi32, #tpu.memory_space<hbm>>
    tpu.enqueue_dma source(%dma_start3A_35 : memref<2x128xi32, #tpu.memory_space<hbm>>) target(%arg11 : memref<2x128xi32, #tpu.memory_space<vmem>>) target_semaphore(%arg31 : memref<!tpu.dma_semaphore, #tpu.memory_space<semaphore_mem>>)
    %dma_start3A_36 = arith.constant 3 : i32
    %dma_start3A_37 = arith.constant 0 : i32
    %dma_start3A_38 = arith.constant 0 : i32
    %dma_start3A_39 = tpu.memref_slice %arg5[%arg1, %dma_start3A_36, %dma_start3A_37, %dma_start3A_38] : memref<16x160x2x128xi32, #tpu.memory_space<hbm>> -> memref<1x1x2x128xi32, #tpu.memory_space<hbm>>
    %dma_start3A_40 = tpu.memref_squeeze %dma_start3A_39 : memref<1x1x2x128xi32, #tpu.memory_space<hbm>> -> memref<2x128xi32, #tpu.memory_space<hbm>>
    %dma_start3A_41 = arith.constant 0 : i32
    %dma_start3A_42 = arith.constant 0 : i32
    %dma_start3A_43 = tpu.memref_slice %arg5[%arg1, %dma_start3A_36, %dma_start3A_41, %dma_start3A_42] : memref<16x160x2x128xi32, #tpu.memory_space<hbm>> -> memref<1x1x2x128xi32, #tpu.memory_space<hbm>>
    %dma_start3A_44 = tpu.memref_squeeze %dma_start3A_43 : memref<1x1x2x128xi32, #tpu.memory_space<hbm>> -> memref<2x128xi32, #tpu.memory_space<hbm>>
    tpu.enqueue_dma source(%dma_start3A_44 : memref<2x128xi32, #tpu.memory_space<hbm>>) target(%arg12 : memref<2x128xi32, #tpu.memory_space<vmem>>) target_semaphore(%arg32 : memref<!tpu.dma_semaphore, #tpu.memory_space<semaphore_mem>>)
    %dma_start3A_45 = arith.constant 4 : i32
    %dma_start3A_46 = arith.constant 0 : i32
    %dma_start3A_47 = arith.constant 0 : i32
    %dma_start3A_48 = tpu.memref_slice %arg5[%arg1, %dma_start3A_45, %dma_start3A_46, %dma_start3A_47] : memref<16x160x2x128xi32, #tpu.memory_space<hbm>> -> memref<1x1x2x128xi32, #tpu.memory_space<hbm>>
    %dma_start3A_49 = tpu.memref_squeeze %dma_start3A_48 : memref<1x1x2x128xi32, #tpu.memory_space<hbm>> -> memref<2x128xi32, #tpu.memory_space<hbm>>
    %dma_start3A_50 = arith.constant 0 : i32
    %dma_start3A_51 = arith.constant 0 : i32
    %dma_start3A_52 = tpu.memref_slice %arg5[%arg1, %dma_start3A_45, %dma_start3A_50, %dma_start3A_51] : memref<16x160x2x128xi32, #tpu.memory_space<hbm>> -> memref<1x1x2x128xi32, #tpu.memory_space<hbm>>
    %dma_start3A_53 = tpu.memref_squeeze %dma_start3A_52 : memref<1x1x2x128xi32, #tpu.memory_space<hbm>> -> memref<2x128xi32, #tpu.memory_space<hbm>>
    tpu.enqueue_dma source(%dma_start3A_53 : memref<2x128xi32, #tpu.memory_space<hbm>>) target(%arg13 : memref<2x128xi32, #tpu.memory_space<vmem>>) target_semaphore(%arg33 : memref<!tpu.dma_semaphore, #tpu.memory_space<semaphore_mem>>)
    %dma_start3A_54 = arith.constant 5 : i32
    %dma_start3A_55 = arith.constant 0 : i32
    %dma_start3A_56 = arith.constant 0 : i32
    %dma_start3A_57 = tpu.memref_slice %arg5[%arg1, %dma_start3A_54, %dma_start3A_55, %dma_start3A_56] : memref<16x160x2x128xi32, #tpu.memory_space<hbm>> -> memref<1x1x2x128xi32, #tpu.memory_space<hbm>>
    %dma_start3A_58 = tpu.memref_squeeze %dma_start3A_57 : memref<1x1x2x128xi32, #tpu.memory_space<hbm>> -> memref<2x128xi32, #tpu.memory_space<hbm>>
    %dma_start3A_59 = arith.constant 0 : i32
    %dma_start3A_60 = arith.constant 0 : i32
    %dma_start3A_61 = tpu.memref_slice %arg5[%arg1, %dma_start3A_54, %dma_start3A_59, %dma_start3A_60] : memref<16x160x2x128xi32, #tpu.memory_space<hbm>> -> memref<1x1x2x128xi32, #tpu.memory_space<hbm>>
    %dma_start3A_62 = tpu.memref_squeeze %dma_start3A_61 : memref<1x1x2x128xi32, #tpu.memory_space<hbm>> -> memref<2x128xi32, #tpu.memory_space<hbm>>
    tpu.enqueue_dma source(%dma_start3A_62 : memref<2x128xi32, #tpu.memory_space<hbm>>) target(%arg14 : memref<2x128xi32, #tpu.memory_space<vmem>>) target_semaphore(%arg34 : memref<!tpu.dma_semaphore, #tpu.memory_space<semaphore_mem>>)
    %dma_start3A_63 = arith.constant 6 : i32
    %dma_start3A_64 = arith.constant 0 : i32
    %dma_start3A_65 = arith.constant 0 : i32
    %dma_start3A_66 = tpu.memref_slice %arg5[%arg1, %dma_start3A_63, %dma_start3A_64, %dma_start3A_65] : memref<16x160x2x128xi32, #tpu.memory_space<hbm>> -> memref<1x1x2x128xi32, #tpu.memory_space<hbm>>
    %dma_start3A_67 = tpu.memref_squeeze %dma_start3A_66 : memref<1x1x2x128xi32, #tpu.memory_space<hbm>> -> memref<2x128xi32, #tpu.memory_space<hbm>>
    %dma_start3A_68 = arith.constant 0 : i32
    %dma_start3A_69 = arith.constant 0 : i32
    %dma_start3A_70 = tpu.memref_slice %arg5[%arg1, %dma_start3A_63, %dma_start3A_68, %dma_start3A_69] : memref<16x160x2x128xi32, #tpu.memory_space<hbm>> -> memref<1x1x2x128xi32, #tpu.memory_space<hbm>>
    %dma_start3A_71 = tpu.memref_squeeze %dma_start3A_70 : memref<1x1x2x128xi32, #tpu.memory_space<hbm>> -> memref<2x128xi32, #tpu.memory_space<hbm>>
    tpu.enqueue_dma source(%dma_start3A_71 : memref<2x128xi32, #tpu.memory_space<hbm>>) target(%arg15 : memref<2x128xi32, #tpu.memory_space<vmem>>) target_semaphore(%arg35 : memref<!tpu.dma_semaphore, #tpu.memory_space<semaphore_mem>>)
    %dma_start3A_72 = arith.constant 7 : i32
    %dma_start3A_73 = arith.constant 0 : i32
    %dma_start3A_74 = arith.constant 0 : i32
    %dma_start3A_75 = tpu.memref_slice %arg5[%arg1, %dma_start3A_72, %dma_start3A_73, %dma_start3A_74] : memref<16x160x2x128xi32, #tpu.memory_space<hbm>> -> memref<1x1x2x128xi32, #tpu.memory_space<hbm>>
    %dma_start3A_76 = tpu.memref_squeeze %dma_start3A_75 : memref<1x1x2x128xi32, #tpu.memory_space<hbm>> -> memref<2x128xi32, #tpu.memory_space<hbm>>
    %dma_start3A_77 = arith.constant 0 : i32
    %dma_start3A_78 = arith.constant 0 : i32
    %dma_start3A_79 = tpu.memref_slice %arg5[%arg1, %dma_start3A_72, %dma_start3A_77, %dma_start3A_78] : memref<16x160x2x128xi32, #tpu.memory_space<hbm>> -> memref<1x1x2x128xi32, #tpu.memory_space<hbm>>
    %dma_start3A_80 = tpu.memref_squeeze %dma_start3A_79 : memref<1x1x2x128xi32, #tpu.memory_space<hbm>> -> memref<2x128xi32, #tpu.memory_space<hbm>>
    tpu.enqueue_dma source(%dma_start3A_80 : memref<2x128xi32, #tpu.memory_space<hbm>>) target(%arg16 : memref<2x128xi32, #tpu.memory_space<vmem>>) target_semaphore(%arg36 : memref<!tpu.dma_semaphore, #tpu.memory_space<semaphore_mem>>)
    %dma_wait3A = arith.constant 0 : i32
    %dma_wait3A_81 = tpu.memref_slice %arg7[%mul3A_0, %dma_wait3A] : memref<10240x32xf32, #tpu.memory_space<vmem_shared>> -> memref<640x32xf32, #tpu.memory_space<vmem_shared>>
    %dma_wait3A_82 = arith.constant 0 : i32
    %dma_wait3A_83 = tpu.memref_slice %arg2[%arg0, %mul3A_0, %dma_wait3A_82] : memref<2x10240x32xf32, #tpu.memory_space<hbm>> -> memref<1x640x32xf32, #tpu.memory_space<hbm>>
    %dma_wait3A_84 = tpu.memref_squeeze %dma_wait3A_83 : memref<1x640x32xf32, #tpu.memory_space<hbm>> -> memref<640x32xf32, #tpu.memory_space<hbm>>
    tpu.wait_dma2 semaphore(%arg25 : memref<!tpu.dma_semaphore, #tpu.memory_space<semaphore_mem>>) src(%dma_wait3A_84 : memref<640x32xf32, #tpu.memory_space<hbm>>) dst(%dma_wait3A_81 : memref<640x32xf32, #tpu.memory_space<vmem_shared>>)
    %dma_wait3A_85 = arith.constant 0 : i32
    %dma_wait3A_86 = tpu.memref_slice %arg8[%mul3A_0, %dma_wait3A_85] : memref<10240x32xf32, #tpu.memory_space<vmem_shared>> -> memref<640x32xf32, #tpu.memory_space<vmem_shared>>
    %dma_wait3A_87 = arith.constant 0 : i32
    %dma_wait3A_88 = tpu.memref_slice %arg3[%mul3A_0, %dma_wait3A_87] : memref<10240x32xf32, #tpu.memory_space<hbm>> -> memref<640x32xf32, #tpu.memory_space<hbm>>
    tpu.wait_dma2 semaphore(%arg26 : memref<!tpu.dma_semaphore, #tpu.memory_space<semaphore_mem>>) src(%dma_wait3A_88 : memref<640x32xf32, #tpu.memory_space<hbm>>) dst(%dma_wait3A_86 : memref<640x32xf32, #tpu.memory_space<vmem_shared>>)
    %barrier3A = arith.constant 0 : index
    tpu.barrier barrier_id(%barrier3A)
    %scan3A = arith.constant 0 : i32
    %scan3A_89 = arith.constant 0 : i32
    %scan3A_90 = arith.constant 20 : i32
    %scan3A_91 = arith.addi %scan3A_89, %scan3A_90 : i32
    %scan3A_92 = arith.constant 1 : i32
    scf.for %scan3A_195 = %scan3A_89 to %scan3A_91 step %scan3A_92  : i32 {
      %dma_wait3A_196 = arith.constant 0 : i32
      %dma_wait3A_197 = arith.constant 0 : i32
      %dma_wait3A_198 = arith.constant 0 : i32
      %dma_wait3A_199 = tpu.memref_slice %arg5[%arg1, %dma_wait3A_196, %dma_wait3A_197, %dma_wait3A_198] : memref<16x160x2x128xi32, #tpu.memory_space<hbm>> -> memref<1x1x2x128xi32, #tpu.memory_space<hbm>>
      %dma_wait3A_200 = tpu.memref_squeeze %dma_wait3A_199 : memref<1x1x2x128xi32, #tpu.memory_space<hbm>> -> memref<2x128xi32, #tpu.memory_space<hbm>>
      %dma_wait3A_201 = arith.constant 0 : i32
      %dma_wait3A_202 = arith.constant 0 : i32
      %dma_wait3A_203 = tpu.memref_slice %arg5[%arg1, %dma_wait3A_196, %dma_wait3A_201, %dma_wait3A_202] : memref<16x160x2x128xi32, #tpu.memory_space<hbm>> -> memref<1x1x2x128xi32, #tpu.memory_space<hbm>>
      %dma_wait3A_204 = tpu.memref_squeeze %dma_wait3A_203 : memref<1x1x2x128xi32, #tpu.memory_space<hbm>> -> memref<2x128xi32, #tpu.memory_space<hbm>>
      tpu.wait_dma2 semaphore(%arg29 : memref<!tpu.dma_semaphore, #tpu.memory_space<semaphore_mem>>) src(%dma_wait3A_204 : memref<2x128xi32, #tpu.memory_space<hbm>>) dst(%arg9 : memref<2x128xi32, #tpu.memory_space<vmem>>)
      %dma_start3A_205 = arith.constant 0 : i32
      %dma_start3A_206 = arith.constant 0 : i32
      %dma_start3A_207 = tpu.memref_slice %arg9[%dma_start3A_205, %dma_start3A_206] : memref<2x128xi32, #tpu.memory_space<vmem>> -> memref<1x128xi32, #tpu.memory_space<vmem>>
      %dma_start3A_208 = tpu.memref_squeeze %dma_start3A_207 : memref<1x128xi32, #tpu.memory_space<vmem>> -> memref<128xi32, #tpu.memory_space<vmem>>
      %dma_start3A_209 = arith.constant 0 : i32
      %dma_start3A_210 = arith.constant 0 : i32
      %dma_start3A_211 = tpu.memref_slice %arg7[%dma_start3A_209, %dma_start3A_210] : memref<10240x32xf32, #tpu.memory_space<vmem_shared>> -> memref<10240x32xf32, #tpu.memory_space<vmem_shared>>
      tpu.enqueue_indirect_dma source(%dma_start3A_211 : memref<10240x32xf32, #tpu.memory_space<vmem_shared>>) target(%arg17 : memref<128x32xf32, #tpu.memory_space<vmem>>) offsets(%dma_start3A_208 : memref<128xi32, #tpu.memory_space<vmem>>) semaphore(%arg37 : memref<!tpu.dma_semaphore, #tpu.memory_space<semaphore_mem>>)
      %dma_wait3A_212 = arith.constant 0 : i32
      %dma_wait3A_213 = arith.constant 0 : i32
      %dma_wait3A_214 = arith.constant 0 : i32
      %dma_wait3A_215 = tpu.memref_slice %arg5[%arg1, %dma_wait3A_212, %dma_wait3A_213, %dma_wait3A_214] : memref<16x160x2x128xi32, #tpu.memory_space<hbm>> -> memref<1x1x2x128xi32, #tpu.memory_space<hbm>>
      %dma_wait3A_216 = tpu.memref_squeeze %dma_wait3A_215 : memref<1x1x2x128xi32, #tpu.memory_space<hbm>> -> memref<2x128xi32, #tpu.memory_space<hbm>>
      %dma_wait3A_217 = arith.constant 0 : i32
      %dma_wait3A_218 = arith.constant 0 : i32
      %dma_wait3A_219 = tpu.memref_slice %arg5[%arg1, %dma_wait3A_212, %dma_wait3A_217, %dma_wait3A_218] : memref<16x160x2x128xi32, #tpu.memory_space<hbm>> -> memref<1x1x2x128xi32, #tpu.memory_space<hbm>>
      %dma_wait3A_220 = tpu.memref_squeeze %dma_wait3A_219 : memref<1x1x2x128xi32, #tpu.memory_space<hbm>> -> memref<2x128xi32, #tpu.memory_space<hbm>>
      tpu.wait_dma2 semaphore(%arg30 : memref<!tpu.dma_semaphore, #tpu.memory_space<semaphore_mem>>) src(%dma_wait3A_220 : memref<2x128xi32, #tpu.memory_space<hbm>>) dst(%arg10 : memref<2x128xi32, #tpu.memory_space<vmem>>)
      %dma_start3A_221 = arith.constant 0 : i32
      %dma_start3A_222 = arith.constant 0 : i32
      %dma_start3A_223 = tpu.memref_slice %arg10[%dma_start3A_221, %dma_start3A_222] : memref<2x128xi32, #tpu.memory_space<vmem>> -> memref<1x128xi32, #tpu.memory_space<vmem>>
      %dma_start3A_224 = tpu.memref_squeeze %dma_start3A_223 : memref<1x128xi32, #tpu.memory_space<vmem>> -> memref<128xi32, #tpu.memory_space<vmem>>
      %dma_start3A_225 = arith.constant 0 : i32
      %dma_start3A_226 = arith.constant 0 : i32
      %dma_start3A_227 = tpu.memref_slice %arg7[%dma_start3A_225, %dma_start3A_226] : memref<10240x32xf32, #tpu.memory_space<vmem_shared>> -> memref<10240x32xf32, #tpu.memory_space<vmem_shared>>
      tpu.enqueue_indirect_dma source(%dma_start3A_227 : memref<10240x32xf32, #tpu.memory_space<vmem_shared>>) target(%arg18 : memref<128x32xf32, #tpu.memory_space<vmem>>) offsets(%dma_start3A_224 : memref<128xi32, #tpu.memory_space<vmem>>) semaphore(%arg38 : memref<!tpu.dma_semaphore, #tpu.memory_space<semaphore_mem>>)
      %dma_wait3A_228 = arith.constant 0 : i32
      %dma_wait3A_229 = arith.constant 0 : i32
      %dma_wait3A_230 = arith.constant 0 : i32
      %dma_wait3A_231 = tpu.memref_slice %arg5[%arg1, %dma_wait3A_228, %dma_wait3A_229, %dma_wait3A_230] : memref<16x160x2x128xi32, #tpu.memory_space<hbm>> -> memref<1x1x2x128xi32, #tpu.memory_space<hbm>>
      %dma_wait3A_232 = tpu.memref_squeeze %dma_wait3A_231 : memref<1x1x2x128xi32, #tpu.memory_space<hbm>> -> memref<2x128xi32, #tpu.memory_space<hbm>>
      %dma_wait3A_233 = arith.constant 0 : i32
      %dma_wait3A_234 = arith.constant 0 : i32
      %dma_wait3A_235 = tpu.memref_slice %arg5[%arg1, %dma_wait3A_228, %dma_wait3A_233, %dma_wait3A_234] : memref<16x160x2x128xi32, #tpu.memory_space<hbm>> -> memref<1x1x2x128xi32, #tpu.memory_space<hbm>>
      %dma_wait3A_236 = tpu.memref_squeeze %dma_wait3A_235 : memref<1x1x2x128xi32, #tpu.memory_space<hbm>> -> memref<2x128xi32, #tpu.memory_space<hbm>>
      tpu.wait_dma2 semaphore(%arg31 : memref<!tpu.dma_semaphore, #tpu.memory_space<semaphore_mem>>) src(%dma_wait3A_236 : memref<2x128xi32, #tpu.memory_space<hbm>>) dst(%arg11 : memref<2x128xi32, #tpu.memory_space<vmem>>)
      %dma_start3A_237 = arith.constant 0 : i32
      %dma_start3A_238 = arith.constant 0 : i32
      %dma_start3A_239 = tpu.memref_slice %arg11[%dma_start3A_237, %dma_start3A_238] : memref<2x128xi32, #tpu.memory_space<vmem>> -> memref<1x128xi32, #tpu.memory_space<vmem>>
      %dma_start3A_240 = tpu.memref_squeeze %dma_start3A_239 : memref<1x128xi32, #tpu.memory_space<vmem>> -> memref<128xi32, #tpu.memory_space<vmem>>
      %dma_start3A_241 = arith.constant 0 : i32
      %dma_start3A_242 = arith.constant 0 : i32
      %dma_start3A_243 = tpu.memref_slice %arg7[%dma_start3A_241, %dma_start3A_242] : memref<10240x32xf32, #tpu.memory_space<vmem_shared>> -> memref<10240x32xf32, #tpu.memory_space<vmem_shared>>
      tpu.enqueue_indirect_dma source(%dma_start3A_243 : memref<10240x32xf32, #tpu.memory_space<vmem_shared>>) target(%arg19 : memref<128x32xf32, #tpu.memory_space<vmem>>) offsets(%dma_start3A_240 : memref<128xi32, #tpu.memory_space<vmem>>) semaphore(%arg39 : memref<!tpu.dma_semaphore, #tpu.memory_space<semaphore_mem>>)
      %dma_wait3A_244 = arith.constant 0 : i32
      %dma_wait3A_245 = arith.constant 0 : i32
      %dma_wait3A_246 = arith.constant 0 : i32
      %dma_wait3A_247 = tpu.memref_slice %arg5[%arg1, %dma_wait3A_244, %dma_wait3A_245, %dma_wait3A_246] : memref<16x160x2x128xi32, #tpu.memory_space<hbm>> -> memref<1x1x2x128xi32, #tpu.memory_space<hbm>>
      %dma_wait3A_248 = tpu.memref_squeeze %dma_wait3A_247 : memref<1x1x2x128xi32, #tpu.memory_space<hbm>> -> memref<2x128xi32, #tpu.memory_space<hbm>>
      %dma_wait3A_249 = arith.constant 0 : i32
      %dma_wait3A_250 = arith.constant 0 : i32
      %dma_wait3A_251 = tpu.memref_slice %arg5[%arg1, %dma_wait3A_244, %dma_wait3A_249, %dma_wait3A_250] : memref<16x160x2x128xi32, #tpu.memory_space<hbm>> -> memref<1x1x2x128xi32, #tpu.memory_space<hbm>>
      %dma_wait3A_252 = tpu.memref_squeeze %dma_wait3A_251 : memref<1x1x2x128xi32, #tpu.memory_space<hbm>> -> memref<2x128xi32, #tpu.memory_space<hbm>>
      tpu.wait_dma2 semaphore(%arg32 : memref<!tpu.dma_semaphore, #tpu.memory_space<semaphore_mem>>) src(%dma_wait3A_252 : memref<2x128xi32, #tpu.memory_space<hbm>>) dst(%arg12 : memref<2x128xi32, #tpu.memory_space<vmem>>)
      %dma_start3A_253 = arith.constant 0 : i32
      %dma_start3A_254 = arith.constant 0 : i32
      %dma_start3A_255 = tpu.memref_slice %arg12[%dma_start3A_253, %dma_start3A_254] : memref<2x128xi32, #tpu.memory_space<vmem>> -> memref<1x128xi32, #tpu.memory_space<vmem>>
      %dma_start3A_256 = tpu.memref_squeeze %dma_start3A_255 : memref<1x128xi32, #tpu.memory_space<vmem>> -> memref<128xi32, #tpu.memory_space<vmem>>
      %dma_start3A_257 = arith.constant 0 : i32
      %dma_start3A_258 = arith.constant 0 : i32
      %dma_start3A_259 = tpu.memref_slice %arg7[%dma_start3A_257, %dma_start3A_258] : memref<10240x32xf32, #tpu.memory_space<vmem_shared>> -> memref<10240x32xf32, #tpu.memory_space<vmem_shared>>
      tpu.enqueue_indirect_dma source(%dma_start3A_259 : memref<10240x32xf32, #tpu.memory_space<vmem_shared>>) target(%arg20 : memref<128x32xf32, #tpu.memory_space<vmem>>) offsets(%dma_start3A_256 : memref<128xi32, #tpu.memory_space<vmem>>) semaphore(%arg40 : memref<!tpu.dma_semaphore, #tpu.memory_space<semaphore_mem>>)
      %dma_wait3A_260 = arith.constant 0 : i32
      %dma_wait3A_261 = arith.constant 0 : i32
      %dma_wait3A_262 = arith.constant 0 : i32
      %dma_wait3A_263 = tpu.memref_slice %arg5[%arg1, %dma_wait3A_260, %dma_wait3A_261, %dma_wait3A_262] : memref<16x160x2x128xi32, #tpu.memory_space<hbm>> -> memref<1x1x2x128xi32, #tpu.memory_space<hbm>>
      %dma_wait3A_264 = tpu.memref_squeeze %dma_wait3A_263 : memref<1x1x2x128xi32, #tpu.memory_space<hbm>> -> memref<2x128xi32, #tpu.memory_space<hbm>>
      %dma_wait3A_265 = arith.constant 0 : i32
      %dma_wait3A_266 = arith.constant 0 : i32
      %dma_wait3A_267 = tpu.memref_slice %arg5[%arg1, %dma_wait3A_260, %dma_wait3A_265, %dma_wait3A_266] : memref<16x160x2x128xi32, #tpu.memory_space<hbm>> -> memref<1x1x2x128xi32, #tpu.memory_space<hbm>>
      %dma_wait3A_268 = tpu.memref_squeeze %dma_wait3A_267 : memref<1x1x2x128xi32, #tpu.memory_space<hbm>> -> memref<2x128xi32, #tpu.memory_space<hbm>>
      tpu.wait_dma2 semaphore(%arg33 : memref<!tpu.dma_semaphore, #tpu.memory_space<semaphore_mem>>) src(%dma_wait3A_268 : memref<2x128xi32, #tpu.memory_space<hbm>>) dst(%arg13 : memref<2x128xi32, #tpu.memory_space<vmem>>)
      %dma_start3A_269 = arith.constant 0 : i32
      %dma_start3A_270 = arith.constant 0 : i32
      %dma_start3A_271 = tpu.memref_slice %arg13[%dma_start3A_269, %dma_start3A_270] : memref<2x128xi32, #tpu.memory_space<vmem>> -> memref<1x128xi32, #tpu.memory_space<vmem>>
      %dma_start3A_272 = tpu.memref_squeeze %dma_start3A_271 : memref<1x128xi32, #tpu.memory_space<vmem>> -> memref<128xi32, #tpu.memory_space<vmem>>
      %dma_start3A_273 = arith.constant 0 : i32
      %dma_start3A_274 = arith.constant 0 : i32
      %dma_start3A_275 = tpu.memref_slice %arg7[%dma_start3A_273, %dma_start3A_274] : memref<10240x32xf32, #tpu.memory_space<vmem_shared>> -> memref<10240x32xf32, #tpu.memory_space<vmem_shared>>
      tpu.enqueue_indirect_dma source(%dma_start3A_275 : memref<10240x32xf32, #tpu.memory_space<vmem_shared>>) target(%arg21 : memref<128x32xf32, #tpu.memory_space<vmem>>) offsets(%dma_start3A_272 : memref<128xi32, #tpu.memory_space<vmem>>) semaphore(%arg41 : memref<!tpu.dma_semaphore, #tpu.memory_space<semaphore_mem>>)
      %dma_wait3A_276 = arith.constant 0 : i32
      %dma_wait3A_277 = arith.constant 0 : i32
      %dma_wait3A_278 = arith.constant 0 : i32
      %dma_wait3A_279 = tpu.memref_slice %arg5[%arg1, %dma_wait3A_276, %dma_wait3A_277, %dma_wait3A_278] : memref<16x160x2x128xi32, #tpu.memory_space<hbm>> -> memref<1x1x2x128xi32, #tpu.memory_space<hbm>>
      %dma_wait3A_280 = tpu.memref_squeeze %dma_wait3A_279 : memref<1x1x2x128xi32, #tpu.memory_space<hbm>> -> memref<2x128xi32, #tpu.memory_space<hbm>>
      %dma_wait3A_281 = arith.constant 0 : i32
      %dma_wait3A_282 = arith.constant 0 : i32
      %dma_wait3A_283 = tpu.memref_slice %arg5[%arg1, %dma_wait3A_276, %dma_wait3A_281, %dma_wait3A_282] : memref<16x160x2x128xi32, #tpu.memory_space<hbm>> -> memref<1x1x2x128xi32, #tpu.memory_space<hbm>>
      %dma_wait3A_284 = tpu.memref_squeeze %dma_wait3A_283 : memref<1x1x2x128xi32, #tpu.memory_space<hbm>> -> memref<2x128xi32, #tpu.memory_space<hbm>>
      tpu.wait_dma2 semaphore(%arg34 : memref<!tpu.dma_semaphore, #tpu.memory_space<semaphore_mem>>) src(%dma_wait3A_284 : memref<2x128xi32, #tpu.memory_space<hbm>>) dst(%arg14 : memref<2x128xi32, #tpu.memory_space<vmem>>)
      %dma_start3A_285 = arith.constant 0 : i32
      %dma_start3A_286 = arith.constant 0 : i32
      %dma_start3A_287 = tpu.memref_slice %arg14[%dma_start3A_285, %dma_start3A_286] : memref<2x128xi32, #tpu.memory_space<vmem>> -> memref<1x128xi32, #tpu.memory_space<vmem>>
      %dma_start3A_288 = tpu.memref_squeeze %dma_start3A_287 : memref<1x128xi32, #tpu.memory_space<vmem>> -> memref<128xi32, #tpu.memory_space<vmem>>
      %dma_start3A_289 = arith.constant 0 : i32
      %dma_start3A_290 = arith.constant 0 : i32
      %dma_start3A_291 = tpu.memref_slice %arg7[%dma_start3A_289, %dma_start3A_290] : memref<10240x32xf32, #tpu.memory_space<vmem_shared>> -> memref<10240x32xf32, #tpu.memory_space<vmem_shared>>
      tpu.enqueue_indirect_dma source(%dma_start3A_291 : memref<10240x32xf32, #tpu.memory_space<vmem_shared>>) target(%arg22 : memref<128x32xf32, #tpu.memory_space<vmem>>) offsets(%dma_start3A_288 : memref<128xi32, #tpu.memory_space<vmem>>) semaphore(%arg42 : memref<!tpu.dma_semaphore, #tpu.memory_space<semaphore_mem>>)
      %dma_wait3A_292 = arith.constant 0 : i32
      %dma_wait3A_293 = arith.constant 0 : i32
      %dma_wait3A_294 = arith.constant 0 : i32
      %dma_wait3A_295 = tpu.memref_slice %arg5[%arg1, %dma_wait3A_292, %dma_wait3A_293, %dma_wait3A_294] : memref<16x160x2x128xi32, #tpu.memory_space<hbm>> -> memref<1x1x2x128xi32, #tpu.memory_space<hbm>>
      %dma_wait3A_296 = tpu.memref_squeeze %dma_wait3A_295 : memref<1x1x2x128xi32, #tpu.memory_space<hbm>> -> memref<2x128xi32, #tpu.memory_space<hbm>>
      %dma_wait3A_297 = arith.constant 0 : i32
      %dma_wait3A_298 = arith.constant 0 : i32
      %dma_wait3A_299 = tpu.memref_slice %arg5[%arg1, %dma_wait3A_292, %dma_wait3A_297, %dma_wait3A_298] : memref<16x160x2x128xi32, #tpu.memory_space<hbm>> -> memref<1x1x2x128xi32, #tpu.memory_space<hbm>>
      %dma_wait3A_300 = tpu.memref_squeeze %dma_wait3A_299 : memref<1x1x2x128xi32, #tpu.memory_space<hbm>> -> memref<2x128xi32, #tpu.memory_space<hbm>>
      tpu.wait_dma2 semaphore(%arg35 : memref<!tpu.dma_semaphore, #tpu.memory_space<semaphore_mem>>) src(%dma_wait3A_300 : memref<2x128xi32, #tpu.memory_space<hbm>>) dst(%arg15 : memref<2x128xi32, #tpu.memory_space<vmem>>)
      %dma_start3A_301 = arith.constant 0 : i32
      %dma_start3A_302 = arith.constant 0 : i32
      %dma_start3A_303 = tpu.memref_slice %arg15[%dma_start3A_301, %dma_start3A_302] : memref<2x128xi32, #tpu.memory_space<vmem>> -> memref<1x128xi32, #tpu.memory_space<vmem>>
      %dma_start3A_304 = tpu.memref_squeeze %dma_start3A_303 : memref<1x128xi32, #tpu.memory_space<vmem>> -> memref<128xi32, #tpu.memory_space<vmem>>
      %dma_start3A_305 = arith.constant 0 : i32
      %dma_start3A_306 = arith.constant 0 : i32
      %dma_start3A_307 = tpu.memref_slice %arg7[%dma_start3A_305, %dma_start3A_306] : memref<10240x32xf32, #tpu.memory_space<vmem_shared>> -> memref<10240x32xf32, #tpu.memory_space<vmem_shared>>
      tpu.enqueue_indirect_dma source(%dma_start3A_307 : memref<10240x32xf32, #tpu.memory_space<vmem_shared>>) target(%arg23 : memref<128x32xf32, #tpu.memory_space<vmem>>) offsets(%dma_start3A_304 : memref<128xi32, #tpu.memory_space<vmem>>) semaphore(%arg43 : memref<!tpu.dma_semaphore, #tpu.memory_space<semaphore_mem>>)
      %dma_wait3A_308 = arith.constant 0 : i32
      %dma_wait3A_309 = arith.constant 0 : i32
      %dma_wait3A_310 = arith.constant 0 : i32
      %dma_wait3A_311 = tpu.memref_slice %arg5[%arg1, %dma_wait3A_308, %dma_wait3A_309, %dma_wait3A_310] : memref<16x160x2x128xi32, #tpu.memory_space<hbm>> -> memref<1x1x2x128xi32, #tpu.memory_space<hbm>>
      %dma_wait3A_312 = tpu.memref_squeeze %dma_wait3A_311 : memref<1x1x2x128xi32, #tpu.memory_space<hbm>> -> memref<2x128xi32, #tpu.memory_space<hbm>>
      %dma_wait3A_313 = arith.constant 0 : i32
      %dma_wait3A_314 = arith.constant 0 : i32
      %dma_wait3A_315 = tpu.memref_slice %arg5[%arg1, %dma_wait3A_308, %dma_wait3A_313, %dma_wait3A_314] : memref<16x160x2x128xi32, #tpu.memory_space<hbm>> -> memref<1x1x2x128xi32, #tpu.memory_space<hbm>>
      %dma_wait3A_316 = tpu.memref_squeeze %dma_wait3A_315 : memref<1x1x2x128xi32, #tpu.memory_space<hbm>> -> memref<2x128xi32, #tpu.memory_space<hbm>>
      tpu.wait_dma2 semaphore(%arg36 : memref<!tpu.dma_semaphore, #tpu.memory_space<semaphore_mem>>) src(%dma_wait3A_316 : memref<2x128xi32, #tpu.memory_space<hbm>>) dst(%arg16 : memref<2x128xi32, #tpu.memory_space<vmem>>)
      %dma_start3A_317 = arith.constant 0 : i32
      %dma_start3A_318 = arith.constant 0 : i32
      %dma_start3A_319 = tpu.memref_slice %arg16[%dma_start3A_317, %dma_start3A_318] : memref<2x128xi32, #tpu.memory_space<vmem>> -> memref<1x128xi32, #tpu.memory_space<vmem>>
      %dma_start3A_320 = tpu.memref_squeeze %dma_start3A_319 : memref<1x128xi32, #tpu.memory_space<vmem>> -> memref<128xi32, #tpu.memory_space<vmem>>
      %dma_start3A_321 = arith.constant 0 : i32
      %dma_start3A_322 = arith.constant 0 : i32
      %dma_start3A_323 = tpu.memref_slice %arg7[%dma_start3A_321, %dma_start3A_322] : memref<10240x32xf32, #tpu.memory_space<vmem_shared>> -> memref<10240x32xf32, #tpu.memory_space<vmem_shared>>
      tpu.enqueue_indirect_dma source(%dma_start3A_323 : memref<10240x32xf32, #tpu.memory_space<vmem_shared>>) target(%arg24 : memref<128x32xf32, #tpu.memory_space<vmem>>) offsets(%dma_start3A_320 : memref<128xi32, #tpu.memory_space<vmem>>) semaphore(%arg44 : memref<!tpu.dma_semaphore, #tpu.memory_space<semaphore_mem>>)
      %dma_wait3A_324 = arith.constant 0 : i32
      %dma_wait3A_325 = arith.constant 0 : i32
      %dma_wait3A_326 = tpu.memref_slice %arg9[%dma_wait3A_324, %dma_wait3A_325] : memref<2x128xi32, #tpu.memory_space<vmem>> -> memref<1x128xi32, #tpu.memory_space<vmem>>
      %dma_wait3A_327 = tpu.memref_squeeze %dma_wait3A_326 : memref<1x128xi32, #tpu.memory_space<vmem>> -> memref<128xi32, #tpu.memory_space<vmem>>
      %dma_wait3A_328 = arith.constant 0 : i32
      %dma_wait3A_329 = arith.constant 0 : i32
      %dma_wait3A_330 = tpu.memref_slice %arg7[%dma_wait3A_328, %dma_wait3A_329] : memref<10240x32xf32, #tpu.memory_space<vmem_shared>> -> memref<10240x32xf32, #tpu.memory_space<vmem_shared>>
      tpu.wait_indirect_dma semaphore(%arg37 : memref<!tpu.dma_semaphore, #tpu.memory_space<semaphore_mem>>) src(%dma_wait3A_330 : memref<10240x32xf32, #tpu.memory_space<vmem_shared>>) dst(%arg17 : memref<128x32xf32, #tpu.memory_space<vmem>>)
      %dma_start3A_331 = arith.constant 1 : i32
      %dma_start3A_332 = arith.constant 0 : i32
      %dma_start3A_333 = tpu.memref_slice %arg9[%dma_start3A_331, %dma_start3A_332] : memref<2x128xi32, #tpu.memory_space<vmem>> -> memref<1x128xi32, #tpu.memory_space<vmem>>
      %dma_start3A_334 = tpu.memref_squeeze %dma_start3A_333 : memref<1x128xi32, #tpu.memory_space<vmem>> -> memref<128xi32, #tpu.memory_space<vmem>>
      %dma_start3A_335 = arith.constant 0 : i32
      %dma_start3A_336 = arith.constant 0 : i32
      %dma_start3A_337 = tpu.memref_slice %arg8[%dma_start3A_335, %dma_start3A_336] : memref<10240x32xf32, #tpu.memory_space<vmem_shared>> -> memref<10240x32xf32, #tpu.memory_space<vmem_shared>>
      tpu.enqueue_indirect_dma source(%arg17 : memref<128x32xf32, #tpu.memory_space<vmem>>) target(%dma_start3A_337 : memref<10240x32xf32, #tpu.memory_space<vmem_shared>>) offsets(%dma_start3A_334 : memref<128xi32, #tpu.memory_space<vmem>>) semaphore(%arg45 : memref<!tpu.dma_semaphore, #tpu.memory_space<semaphore_mem>>) {add = true}
      %dma_wait3A_338 = arith.constant 0 : i32
      %dma_wait3A_339 = arith.constant 0 : i32
      %dma_wait3A_340 = tpu.memref_slice %arg10[%dma_wait3A_338, %dma_wait3A_339] : memref<2x128xi32, #tpu.memory_space<vmem>> -> memref<1x128xi32, #tpu.memory_space<vmem>>
      %dma_wait3A_341 = tpu.memref_squeeze %dma_wait3A_340 : memref<1x128xi32, #tpu.memory_space<vmem>> -> memref<128xi32, #tpu.memory_space<vmem>>
      %dma_wait3A_342 = arith.constant 0 : i32
      %dma_wait3A_343 = arith.constant 0 : i32
      %dma_wait3A_344 = tpu.memref_slice %arg7[%dma_wait3A_342, %dma_wait3A_343] : memref<10240x32xf32, #tpu.memory_space<vmem_shared>> -> memref<10240x32xf32, #tpu.memory_space<vmem_shared>>
      tpu.wait_indirect_dma semaphore(%arg38 : memref<!tpu.dma_semaphore, #tpu.memory_space<semaphore_mem>>) src(%dma_wait3A_344 : memref<10240x32xf32, #tpu.memory_space<vmem_shared>>) dst(%arg18 : memref<128x32xf32, #tpu.memory_space<vmem>>)
      %dma_start3A_345 = arith.constant 1 : i32
      %dma_start3A_346 = arith.constant 0 : i32
      %dma_start3A_347 = tpu.memref_slice %arg10[%dma_start3A_345, %dma_start3A_346] : memref<2x128xi32, #tpu.memory_space<vmem>> -> memref<1x128xi32, #tpu.memory_space<vmem>>
      %dma_start3A_348 = tpu.memref_squeeze %dma_start3A_347 : memref<1x128xi32, #tpu.memory_space<vmem>> -> memref<128xi32, #tpu.memory_space<vmem>>
      %dma_start3A_349 = arith.constant 0 : i32
      %dma_start3A_350 = arith.constant 0 : i32
      %dma_start3A_351 = tpu.memref_slice %arg8[%dma_start3A_349, %dma_start3A_350] : memref<10240x32xf32, #tpu.memory_space<vmem_shared>> -> memref<10240x32xf32, #tpu.memory_space<vmem_shared>>
      tpu.enqueue_indirect_dma source(%arg18 : memref<128x32xf32, #tpu.memory_space<vmem>>) target(%dma_start3A_351 : memref<10240x32xf32, #tpu.memory_space<vmem_shared>>) offsets(%dma_start3A_348 : memref<128xi32, #tpu.memory_space<vmem>>) semaphore(%arg46 : memref<!tpu.dma_semaphore, #tpu.memory_space<semaphore_mem>>) {add = true}
      %dma_wait3A_352 = arith.constant 0 : i32
      %dma_wait3A_353 = arith.constant 0 : i32
      %dma_wait3A_354 = tpu.memref_slice %arg11[%dma_wait3A_352, %dma_wait3A_353] : memref<2x128xi32, #tpu.memory_space<vmem>> -> memref<1x128xi32, #tpu.memory_space<vmem>>
      %dma_wait3A_355 = tpu.memref_squeeze %dma_wait3A_354 : memref<1x128xi32, #tpu.memory_space<vmem>> -> memref<128xi32, #tpu.memory_space<vmem>>
      %dma_wait3A_356 = arith.constant 0 : i32
      %dma_wait3A_357 = arith.constant 0 : i32
      %dma_wait3A_358 = tpu.memref_slice %arg7[%dma_wait3A_356, %dma_wait3A_357] : memref<10240x32xf32, #tpu.memory_space<vmem_shared>> -> memref<10240x32xf32, #tpu.memory_space<vmem_shared>>
      tpu.wait_indirect_dma semaphore(%arg39 : memref<!tpu.dma_semaphore, #tpu.memory_space<semaphore_mem>>) src(%dma_wait3A_358 : memref<10240x32xf32, #tpu.memory_space<vmem_shared>>) dst(%arg19 : memref<128x32xf32, #tpu.memory_space<vmem>>)
      %dma_start3A_359 = arith.constant 1 : i32
      %dma_start3A_360 = arith.constant 0 : i32
      %dma_start3A_361 = tpu.memref_slice %arg11[%dma_start3A_359, %dma_start3A_360] : memref<2x128xi32, #tpu.memory_space<vmem>> -> memref<1x128xi32, #tpu.memory_space<vmem>>
      %dma_start3A_362 = tpu.memref_squeeze %dma_start3A_361 : memref<1x128xi32, #tpu.memory_space<vmem>> -> memref<128xi32, #tpu.memory_space<vmem>>
      %dma_start3A_363 = arith.constant 0 : i32
      %dma_start3A_364 = arith.constant 0 : i32
      %dma_start3A_365 = tpu.memref_slice %arg8[%dma_start3A_363, %dma_start3A_364] : memref<10240x32xf32, #tpu.memory_space<vmem_shared>> -> memref<10240x32xf32, #tpu.memory_space<vmem_shared>>
      tpu.enqueue_indirect_dma source(%arg19 : memref<128x32xf32, #tpu.memory_space<vmem>>) target(%dma_start3A_365 : memref<10240x32xf32, #tpu.memory_space<vmem_shared>>) offsets(%dma_start3A_362 : memref<128xi32, #tpu.memory_space<vmem>>) semaphore(%arg47 : memref<!tpu.dma_semaphore, #tpu.memory_space<semaphore_mem>>) {add = true}
      %dma_wait3A_366 = arith.constant 0 : i32
      %dma_wait3A_367 = arith.constant 0 : i32
      %dma_wait3A_368 = tpu.memref_slice %arg12[%dma_wait3A_366, %dma_wait3A_367] : memref<2x128xi32, #tpu.memory_space<vmem>> -> memref<1x128xi32, #tpu.memory_space<vmem>>
      %dma_wait3A_369 = tpu.memref_squeeze %dma_wait3A_368 : memref<1x128xi32, #tpu.memory_space<vmem>> -> memref<128xi32, #tpu.memory_space<vmem>>
      %dma_wait3A_370 = arith.constant 0 : i32
      %dma_wait3A_371 = arith.constant 0 : i32
      %dma_wait3A_372 = tpu.memref_slice %arg7[%dma_wait3A_370, %dma_wait3A_371] : memref<10240x32xf32, #tpu.memory_space<vmem_shared>> -> memref<10240x32xf32, #tpu.memory_space<vmem_shared>>
      tpu.wait_indirect_dma semaphore(%arg40 : memref<!tpu.dma_semaphore, #tpu.memory_space<semaphore_mem>>) src(%dma_wait3A_372 : memref<10240x32xf32, #tpu.memory_space<vmem_shared>>) dst(%arg20 : memref<128x32xf32, #tpu.memory_space<vmem>>)
      %dma_start3A_373 = arith.constant 1 : i32
      %dma_start3A_374 = arith.constant 0 : i32
      %dma_start3A_375 = tpu.memref_slice %arg12[%dma_start3A_373, %dma_start3A_374] : memref<2x128xi32, #tpu.memory_space<vmem>> -> memref<1x128xi32, #tpu.memory_space<vmem>>
      %dma_start3A_376 = tpu.memref_squeeze %dma_start3A_375 : memref<1x128xi32, #tpu.memory_space<vmem>> -> memref<128xi32, #tpu.memory_space<vmem>>
      %dma_start3A_377 = arith.constant 0 : i32
      %dma_start3A_378 = arith.constant 0 : i32
      %dma_start3A_379 = tpu.memref_slice %arg8[%dma_start3A_377, %dma_start3A_378] : memref<10240x32xf32, #tpu.memory_space<vmem_shared>> -> memref<10240x32xf32, #tpu.memory_space<vmem_shared>>
      tpu.enqueue_indirect_dma source(%arg20 : memref<128x32xf32, #tpu.memory_space<vmem>>) target(%dma_start3A_379 : memref<10240x32xf32, #tpu.memory_space<vmem_shared>>) offsets(%dma_start3A_376 : memref<128xi32, #tpu.memory_space<vmem>>) semaphore(%arg48 : memref<!tpu.dma_semaphore, #tpu.memory_space<semaphore_mem>>) {add = true}
      %dma_wait3A_380 = arith.constant 0 : i32
      %dma_wait3A_381 = arith.constant 0 : i32
      %dma_wait3A_382 = tpu.memref_slice %arg13[%dma_wait3A_380, %dma_wait3A_381] : memref<2x128xi32, #tpu.memory_space<vmem>> -> memref<1x128xi32, #tpu.memory_space<vmem>>
      %dma_wait3A_383 = tpu.memref_squeeze %dma_wait3A_382 : memref<1x128xi32, #tpu.memory_space<vmem>> -> memref<128xi32, #tpu.memory_space<vmem>>
      %dma_wait3A_384 = arith.constant 0 : i32
      %dma_wait3A_385 = arith.constant 0 : i32
      %dma_wait3A_386 = tpu.memref_slice %arg7[%dma_wait3A_384, %dma_wait3A_385] : memref<10240x32xf32, #tpu.memory_space<vmem_shared>> -> memref<10240x32xf32, #tpu.memory_space<vmem_shared>>
      tpu.wait_indirect_dma semaphore(%arg41 : memref<!tpu.dma_semaphore, #tpu.memory_space<semaphore_mem>>) src(%dma_wait3A_386 : memref<10240x32xf32, #tpu.memory_space<vmem_shared>>) dst(%arg21 : memref<128x32xf32, #tpu.memory_space<vmem>>)
      %dma_start3A_387 = arith.constant 1 : i32
      %dma_start3A_388 = arith.constant 0 : i32
      %dma_start3A_389 = tpu.memref_slice %arg13[%dma_start3A_387, %dma_start3A_388] : memref<2x128xi32, #tpu.memory_space<vmem>> -> memref<1x128xi32, #tpu.memory_space<vmem>>
      %dma_start3A_390 = tpu.memref_squeeze %dma_start3A_389 : memref<1x128xi32, #tpu.memory_space<vmem>> -> memref<128xi32, #tpu.memory_space<vmem>>
      %dma_start3A_391 = arith.constant 0 : i32
      %dma_start3A_392 = arith.constant 0 : i32
      %dma_start3A_393 = tpu.memref_slice %arg8[%dma_start3A_391, %dma_start3A_392] : memref<10240x32xf32, #tpu.memory_space<vmem_shared>> -> memref<10240x32xf32, #tpu.memory_space<vmem_shared>>
      tpu.enqueue_indirect_dma source(%arg21 : memref<128x32xf32, #tpu.memory_space<vmem>>) target(%dma_start3A_393 : memref<10240x32xf32, #tpu.memory_space<vmem_shared>>) offsets(%dma_start3A_390 : memref<128xi32, #tpu.memory_space<vmem>>) semaphore(%arg49 : memref<!tpu.dma_semaphore, #tpu.memory_space<semaphore_mem>>) {add = true}
      %dma_wait3A_394 = arith.constant 0 : i32
      %dma_wait3A_395 = arith.constant 0 : i32
      %dma_wait3A_396 = tpu.memref_slice %arg14[%dma_wait3A_394, %dma_wait3A_395] : memref<2x128xi32, #tpu.memory_space<vmem>> -> memref<1x128xi32, #tpu.memory_space<vmem>>
      %dma_wait3A_397 = tpu.memref_squeeze %dma_wait3A_396 : memref<1x128xi32, #tpu.memory_space<vmem>> -> memref<128xi32, #tpu.memory_space<vmem>>
      %dma_wait3A_398 = arith.constant 0 : i32
      %dma_wait3A_399 = arith.constant 0 : i32
      %dma_wait3A_400 = tpu.memref_slice %arg7[%dma_wait3A_398, %dma_wait3A_399] : memref<10240x32xf32, #tpu.memory_space<vmem_shared>> -> memref<10240x32xf32, #tpu.memory_space<vmem_shared>>
      tpu.wait_indirect_dma semaphore(%arg42 : memref<!tpu.dma_semaphore, #tpu.memory_space<semaphore_mem>>) src(%dma_wait3A_400 : memref<10240x32xf32, #tpu.memory_space<vmem_shared>>) dst(%arg22 : memref<128x32xf32, #tpu.memory_space<vmem>>)
      %dma_start3A_401 = arith.constant 1 : i32
      %dma_start3A_402 = arith.constant 0 : i32
      %dma_start3A_403 = tpu.memref_slice %arg14[%dma_start3A_401, %dma_start3A_402] : memref<2x128xi32, #tpu.memory_space<vmem>> -> memref<1x128xi32, #tpu.memory_space<vmem>>
      %dma_start3A_404 = tpu.memref_squeeze %dma_start3A_403 : memref<1x128xi32, #tpu.memory_space<vmem>> -> memref<128xi32, #tpu.memory_space<vmem>>
      %dma_start3A_405 = arith.constant 0 : i32
      %dma_start3A_406 = arith.constant 0 : i32
      %dma_start3A_407 = tpu.memref_slice %arg8[%dma_start3A_405, %dma_start3A_406] : memref<10240x32xf32, #tpu.memory_space<vmem_shared>> -> memref<10240x32xf32, #tpu.memory_space<vmem_shared>>
      tpu.enqueue_indirect_dma source(%arg22 : memref<128x32xf32, #tpu.memory_space<vmem>>) target(%dma_start3A_407 : memref<10240x32xf32, #tpu.memory_space<vmem_shared>>) offsets(%dma_start3A_404 : memref<128xi32, #tpu.memory_space<vmem>>) semaphore(%arg50 : memref<!tpu.dma_semaphore, #tpu.memory_space<semaphore_mem>>) {add = true}
      %dma_wait3A_408 = arith.constant 0 : i32
      %dma_wait3A_409 = arith.constant 0 : i32
      %dma_wait3A_410 = tpu.memref_slice %arg15[%dma_wait3A_408, %dma_wait3A_409] : memref<2x128xi32, #tpu.memory_space<vmem>> -> memref<1x128xi32, #tpu.memory_space<vmem>>
      %dma_wait3A_411 = tpu.memref_squeeze %dma_wait3A_410 : memref<1x128xi32, #tpu.memory_space<vmem>> -> memref<128xi32, #tpu.memory_space<vmem>>
      %dma_wait3A_412 = arith.constant 0 : i32
      %dma_wait3A_413 = arith.constant 0 : i32
      %dma_wait3A_414 = tpu.memref_slice %arg7[%dma_wait3A_412, %dma_wait3A_413] : memref<10240x32xf32, #tpu.memory_space<vmem_shared>> -> memref<10240x32xf32, #tpu.memory_space<vmem_shared>>
      tpu.wait_indirect_dma semaphore(%arg43 : memref<!tpu.dma_semaphore, #tpu.memory_space<semaphore_mem>>) src(%dma_wait3A_414 : memref<10240x32xf32, #tpu.memory_space<vmem_shared>>) dst(%arg23 : memref<128x32xf32, #tpu.memory_space<vmem>>)
      %dma_start3A_415 = arith.constant 1 : i32
      %dma_start3A_416 = arith.constant 0 : i32
      %dma_start3A_417 = tpu.memref_slice %arg15[%dma_start3A_415, %dma_start3A_416] : memref<2x128xi32, #tpu.memory_space<vmem>> -> memref<1x128xi32, #tpu.memory_space<vmem>>
      %dma_start3A_418 = tpu.memref_squeeze %dma_start3A_417 : memref<1x128xi32, #tpu.memory_space<vmem>> -> memref<128xi32, #tpu.memory_space<vmem>>
      %dma_start3A_419 = arith.constant 0 : i32
      %dma_start3A_420 = arith.constant 0 : i32
      %dma_start3A_421 = tpu.memref_slice %arg8[%dma_start3A_419, %dma_start3A_420] : memref<10240x32xf32, #tpu.memory_space<vmem_shared>> -> memref<10240x32xf32, #tpu.memory_space<vmem_shared>>
      tpu.enqueue_indirect_dma source(%arg23 : memref<128x32xf32, #tpu.memory_space<vmem>>) target(%dma_start3A_421 : memref<10240x32xf32, #tpu.memory_space<vmem_shared>>) offsets(%dma_start3A_418 : memref<128xi32, #tpu.memory_space<vmem>>) semaphore(%arg51 : memref<!tpu.dma_semaphore, #tpu.memory_space<semaphore_mem>>) {add = true}
      %dma_wait3A_422 = arith.constant 0 : i32
      %dma_wait3A_423 = arith.constant 0 : i32
      %dma_wait3A_424 = tpu.memref_slice %arg16[%dma_wait3A_422, %dma_wait3A_423] : memref<2x128xi32, #tpu.memory_space<vmem>> -> memref<1x128xi32, #tpu.memory_space<vmem>>
      %dma_wait3A_425 = tpu.memref_squeeze %dma_wait3A_424 : memref<1x128xi32, #tpu.memory_space<vmem>> -> memref<128xi32, #tpu.memory_space<vmem>>
      %dma_wait3A_426 = arith.constant 0 : i32
      %dma_wait3A_427 = arith.constant 0 : i32
      %dma_wait3A_428 = tpu.memref_slice %arg7[%dma_wait3A_426, %dma_wait3A_427] : memref<10240x32xf32, #tpu.memory_space<vmem_shared>> -> memref<10240x32xf32, #tpu.memory_space<vmem_shared>>
      tpu.wait_indirect_dma semaphore(%arg44 : memref<!tpu.dma_semaphore, #tpu.memory_space<semaphore_mem>>) src(%dma_wait3A_428 : memref<10240x32xf32, #tpu.memory_space<vmem_shared>>) dst(%arg24 : memref<128x32xf32, #tpu.memory_space<vmem>>)
      %dma_start3A_429 = arith.constant 1 : i32
      %dma_start3A_430 = arith.constant 0 : i32
      %dma_start3A_431 = tpu.memref_slice %arg16[%dma_start3A_429, %dma_start3A_430] : memref<2x128xi32, #tpu.memory_space<vmem>> -> memref<1x128xi32, #tpu.memory_space<vmem>>
      %dma_start3A_432 = tpu.memref_squeeze %dma_start3A_431 : memref<1x128xi32, #tpu.memory_space<vmem>> -> memref<128xi32, #tpu.memory_space<vmem>>
      %dma_start3A_433 = arith.constant 0 : i32
      %dma_start3A_434 = arith.constant 0 : i32
      %dma_start3A_435 = tpu.memref_slice %arg8[%dma_start3A_433, %dma_start3A_434] : memref<10240x32xf32, #tpu.memory_space<vmem_shared>> -> memref<10240x32xf32, #tpu.memory_space<vmem_shared>>
      tpu.enqueue_indirect_dma source(%arg24 : memref<128x32xf32, #tpu.memory_space<vmem>>) target(%dma_start3A_435 : memref<10240x32xf32, #tpu.memory_space<vmem_shared>>) offsets(%dma_start3A_432 : memref<128xi32, #tpu.memory_space<vmem>>) semaphore(%arg52 : memref<!tpu.dma_semaphore, #tpu.memory_space<semaphore_mem>>) {add = true}
      %dma_wait3A_436 = arith.constant 1 : i32
      %dma_wait3A_437 = arith.constant 0 : i32
      %dma_wait3A_438 = tpu.memref_slice %arg9[%dma_wait3A_436, %dma_wait3A_437] : memref<2x128xi32, #tpu.memory_space<vmem>> -> memref<1x128xi32, #tpu.memory_space<vmem>>
      %dma_wait3A_439 = tpu.memref_squeeze %dma_wait3A_438 : memref<1x128xi32, #tpu.memory_space<vmem>> -> memref<128xi32, #tpu.memory_space<vmem>>
      %dma_wait3A_440 = arith.constant 0 : i32
      %dma_wait3A_441 = arith.constant 0 : i32
      %dma_wait3A_442 = tpu.memref_slice %arg8[%dma_wait3A_440, %dma_wait3A_441] : memref<10240x32xf32, #tpu.memory_space<vmem_shared>> -> memref<10240x32xf32, #tpu.memory_space<vmem_shared>>
      tpu.wait_indirect_dma semaphore(%arg45 : memref<!tpu.dma_semaphore, #tpu.memory_space<semaphore_mem>>) src(%arg17 : memref<128x32xf32, #tpu.memory_space<vmem>>) dst(%dma_wait3A_442 : memref<10240x32xf32, #tpu.memory_space<vmem_shared>>)
      %dma_wait3A_443 = arith.constant 1 : i32
      %dma_wait3A_444 = arith.constant 0 : i32
      %dma_wait3A_445 = tpu.memref_slice %arg10[%dma_wait3A_443, %dma_wait3A_444] : memref<2x128xi32, #tpu.memory_space<vmem>> -> memref<1x128xi32, #tpu.memory_space<vmem>>
      %dma_wait3A_446 = tpu.memref_squeeze %dma_wait3A_445 : memref<1x128xi32, #tpu.memory_space<vmem>> -> memref<128xi32, #tpu.memory_space<vmem>>
      %dma_wait3A_447 = arith.constant 0 : i32
      %dma_wait3A_448 = arith.constant 0 : i32
      %dma_wait3A_449 = tpu.memref_slice %arg8[%dma_wait3A_447, %dma_wait3A_448] : memref<10240x32xf32, #tpu.memory_space<vmem_shared>> -> memref<10240x32xf32, #tpu.memory_space<vmem_shared>>
      tpu.wait_indirect_dma semaphore(%arg46 : memref<!tpu.dma_semaphore, #tpu.memory_space<semaphore_mem>>) src(%arg18 : memref<128x32xf32, #tpu.memory_space<vmem>>) dst(%dma_wait3A_449 : memref<10240x32xf32, #tpu.memory_space<vmem_shared>>)
      %dma_wait3A_450 = arith.constant 1 : i32
      %dma_wait3A_451 = arith.constant 0 : i32
      %dma_wait3A_452 = tpu.memref_slice %arg11[%dma_wait3A_450, %dma_wait3A_451] : memref<2x128xi32, #tpu.memory_space<vmem>> -> memref<1x128xi32, #tpu.memory_space<vmem>>
      %dma_wait3A_453 = tpu.memref_squeeze %dma_wait3A_452 : memref<1x128xi32, #tpu.memory_space<vmem>> -> memref<128xi32, #tpu.memory_space<vmem>>
      %dma_wait3A_454 = arith.constant 0 : i32
      %dma_wait3A_455 = arith.constant 0 : i32
      %dma_wait3A_456 = tpu.memref_slice %arg8[%dma_wait3A_454, %dma_wait3A_455] : memref<10240x32xf32, #tpu.memory_space<vmem_shared>> -> memref<10240x32xf32, #tpu.memory_space<vmem_shared>>
      tpu.wait_indirect_dma semaphore(%arg47 : memref<!tpu.dma_semaphore, #tpu.memory_space<semaphore_mem>>) src(%arg19 : memref<128x32xf32, #tpu.memory_space<vmem>>) dst(%dma_wait3A_456 : memref<10240x32xf32, #tpu.memory_space<vmem_shared>>)
      %dma_wait3A_457 = arith.constant 1 : i32
      %dma_wait3A_458 = arith.constant 0 : i32
      %dma_wait3A_459 = tpu.memref_slice %arg12[%dma_wait3A_457, %dma_wait3A_458] : memref<2x128xi32, #tpu.memory_space<vmem>> -> memref<1x128xi32, #tpu.memory_space<vmem>>
      %dma_wait3A_460 = tpu.memref_squeeze %dma_wait3A_459 : memref<1x128xi32, #tpu.memory_space<vmem>> -> memref<128xi32, #tpu.memory_space<vmem>>
      %dma_wait3A_461 = arith.constant 0 : i32
      %dma_wait3A_462 = arith.constant 0 : i32
      %dma_wait3A_463 = tpu.memref_slice %arg8[%dma_wait3A_461, %dma_wait3A_462] : memref<10240x32xf32, #tpu.memory_space<vmem_shared>> -> memref<10240x32xf32, #tpu.memory_space<vmem_shared>>
      tpu.wait_indirect_dma semaphore(%arg48 : memref<!tpu.dma_semaphore, #tpu.memory_space<semaphore_mem>>) src(%arg20 : memref<128x32xf32, #tpu.memory_space<vmem>>) dst(%dma_wait3A_463 : memref<10240x32xf32, #tpu.memory_space<vmem_shared>>)
      %dma_wait3A_464 = arith.constant 1 : i32
      %dma_wait3A_465 = arith.constant 0 : i32
      %dma_wait3A_466 = tpu.memref_slice %arg13[%dma_wait3A_464, %dma_wait3A_465] : memref<2x128xi32, #tpu.memory_space<vmem>> -> memref<1x128xi32, #tpu.memory_space<vmem>>
      %dma_wait3A_467 = tpu.memref_squeeze %dma_wait3A_466 : memref<1x128xi32, #tpu.memory_space<vmem>> -> memref<128xi32, #tpu.memory_space<vmem>>
      %dma_wait3A_468 = arith.constant 0 : i32
      %dma_wait3A_469 = arith.constant 0 : i32
      %dma_wait3A_470 = tpu.memref_slice %arg8[%dma_wait3A_468, %dma_wait3A_469] : memref<10240x32xf32, #tpu.memory_space<vmem_shared>> -> memref<10240x32xf32, #tpu.memory_space<vmem_shared>>
      tpu.wait_indirect_dma semaphore(%arg49 : memref<!tpu.dma_semaphore, #tpu.memory_space<semaphore_mem>>) src(%arg21 : memref<128x32xf32, #tpu.memory_space<vmem>>) dst(%dma_wait3A_470 : memref<10240x32xf32, #tpu.memory_space<vmem_shared>>)
      %dma_wait3A_471 = arith.constant 1 : i32
      %dma_wait3A_472 = arith.constant 0 : i32
      %dma_wait3A_473 = tpu.memref_slice %arg14[%dma_wait3A_471, %dma_wait3A_472] : memref<2x128xi32, #tpu.memory_space<vmem>> -> memref<1x128xi32, #tpu.memory_space<vmem>>
      %dma_wait3A_474 = tpu.memref_squeeze %dma_wait3A_473 : memref<1x128xi32, #tpu.memory_space<vmem>> -> memref<128xi32, #tpu.memory_space<vmem>>
      %dma_wait3A_475 = arith.constant 0 : i32
      %dma_wait3A_476 = arith.constant 0 : i32
      %dma_wait3A_477 = tpu.memref_slice %arg8[%dma_wait3A_475, %dma_wait3A_476] : memref<10240x32xf32, #tpu.memory_space<vmem_shared>> -> memref<10240x32xf32, #tpu.memory_space<vmem_shared>>
      tpu.wait_indirect_dma semaphore(%arg50 : memref<!tpu.dma_semaphore, #tpu.memory_space<semaphore_mem>>) src(%arg22 : memref<128x32xf32, #tpu.memory_space<vmem>>) dst(%dma_wait3A_477 : memref<10240x32xf32, #tpu.memory_space<vmem_shared>>)
      %dma_wait3A_478 = arith.constant 1 : i32
      %dma_wait3A_479 = arith.constant 0 : i32
      %dma_wait3A_480 = tpu.memref_slice %arg15[%dma_wait3A_478, %dma_wait3A_479] : memref<2x128xi32, #tpu.memory_space<vmem>> -> memref<1x128xi32, #tpu.memory_space<vmem>>
      %dma_wait3A_481 = tpu.memref_squeeze %dma_wait3A_480 : memref<1x128xi32, #tpu.memory_space<vmem>> -> memref<128xi32, #tpu.memory_space<vmem>>
      %dma_wait3A_482 = arith.constant 0 : i32
      %dma_wait3A_483 = arith.constant 0 : i32
      %dma_wait3A_484 = tpu.memref_slice %arg8[%dma_wait3A_482, %dma_wait3A_483] : memref<10240x32xf32, #tpu.memory_space<vmem_shared>> -> memref<10240x32xf32, #tpu.memory_space<vmem_shared>>
      tpu.wait_indirect_dma semaphore(%arg51 : memref<!tpu.dma_semaphore, #tpu.memory_space<semaphore_mem>>) src(%arg23 : memref<128x32xf32, #tpu.memory_space<vmem>>) dst(%dma_wait3A_484 : memref<10240x32xf32, #tpu.memory_space<vmem_shared>>)
      %dma_wait3A_485 = arith.constant 1 : i32
      %dma_wait3A_486 = arith.constant 0 : i32
      %dma_wait3A_487 = tpu.memref_slice %arg16[%dma_wait3A_485, %dma_wait3A_486] : memref<2x128xi32, #tpu.memory_space<vmem>> -> memref<1x128xi32, #tpu.memory_space<vmem>>
      %dma_wait3A_488 = tpu.memref_squeeze %dma_wait3A_487 : memref<1x128xi32, #tpu.memory_space<vmem>> -> memref<128xi32, #tpu.memory_space<vmem>>
      %dma_wait3A_489 = arith.constant 0 : i32
      %dma_wait3A_490 = arith.constant 0 : i32
      %dma_wait3A_491 = tpu.memref_slice %arg8[%dma_wait3A_489, %dma_wait3A_490] : memref<10240x32xf32, #tpu.memory_space<vmem_shared>> -> memref<10240x32xf32, #tpu.memory_space<vmem_shared>>
      tpu.wait_indirect_dma semaphore(%arg52 : memref<!tpu.dma_semaphore, #tpu.memory_space<semaphore_mem>>) src(%arg24 : memref<128x32xf32, #tpu.memory_space<vmem>>) dst(%dma_wait3A_491 : memref<10240x32xf32, #tpu.memory_space<vmem_shared>>)
      %lt3A = arith.constant 19 : i32
      %lt3A_492 = arith.cmpi slt, %scan3A_195, %lt3A : i32
      %convert_element_type3A = arith.extui %lt3A_492 : i1 to i32
      %cond3A = arith.constant 0 : i32
      %cond3A_493 = arith.cmpi ne, %convert_element_type3A, %cond3A : i32
      scf.if %cond3A_493 {
        %add3A = arith.constant 1 : i32
        %add3A_494 = arith.addi %scan3A_195, %add3A : i32
        %mul3A_495 = arith.constant 8 : i32
        %mul3A_496 = arith.muli %add3A_494, %mul3A_495 : i32
        %add3A_497 = arith.constant 0 : i32
        %add3A_498 = arith.addi %mul3A_496, %add3A_497 : i32
        %dma_start3A_499 = arith.constant 0 : i32
        %dma_start3A_500 = arith.constant 0 : i32
        %dma_start3A_501 = tpu.memref_slice %arg5[%arg1, %add3A_498, %dma_start3A_499, %dma_start3A_500] : memref<16x160x2x128xi32, #tpu.memory_space<hbm>> -> memref<1x1x2x128xi32, #tpu.memory_space<hbm>>
        %dma_start3A_502 = tpu.memref_squeeze %dma_start3A_501 : memref<1x1x2x128xi32, #tpu.memory_space<hbm>> -> memref<2x128xi32, #tpu.memory_space<hbm>>
        %dma_start3A_503 = arith.constant 0 : i32
        %dma_start3A_504 = arith.constant 0 : i32
        %dma_start3A_505 = tpu.memref_slice %arg5[%arg1, %add3A_498, %dma_start3A_503, %dma_start3A_504] : memref<16x160x2x128xi32, #tpu.memory_space<hbm>> -> memref<1x1x2x128xi32, #tpu.memory_space<hbm>>
        %dma_start3A_506 = tpu.memref_squeeze %dma_start3A_505 : memref<1x1x2x128xi32, #tpu.memory_space<hbm>> -> memref<2x128xi32, #tpu.memory_space<hbm>>
        tpu.enqueue_dma source(%dma_start3A_506 : memref<2x128xi32, #tpu.memory_space<hbm>>) target(%arg9 : memref<2x128xi32, #tpu.memory_space<vmem>>) target_semaphore(%arg29 : memref<!tpu.dma_semaphore, #tpu.memory_space<semaphore_mem>>)
        %add3A_507 = arith.constant 1 : i32
        %add3A_508 = arith.addi %scan3A_195, %add3A_507 : i32
        %mul3A_509 = arith.constant 8 : i32
        %mul3A_510 = arith.muli %add3A_508, %mul3A_509 : i32
        %add3A_511 = arith.constant 1 : i32
        %add3A_512 = arith.addi %mul3A_510, %add3A_511 : i32
        %dma_start3A_513 = arith.constant 0 : i32
        %dma_start3A_514 = arith.constant 0 : i32
        %dma_start3A_515 = tpu.memref_slice %arg5[%arg1, %add3A_512, %dma_start3A_513, %dma_start3A_514] : memref<16x160x2x128xi32, #tpu.memory_space<hbm>> -> memref<1x1x2x128xi32, #tpu.memory_space<hbm>>
        %dma_start3A_516 = tpu.memref_squeeze %dma_start3A_515 : memref<1x1x2x128xi32, #tpu.memory_space<hbm>> -> memref<2x128xi32, #tpu.memory_space<hbm>>
        %dma_start3A_517 = arith.constant 0 : i32
        %dma_start3A_518 = arith.constant 0 : i32
        %dma_start3A_519 = tpu.memref_slice %arg5[%arg1, %add3A_512, %dma_start3A_517, %dma_start3A_518] : memref<16x160x2x128xi32, #tpu.memory_space<hbm>> -> memref<1x1x2x128xi32, #tpu.memory_space<hbm>>
        %dma_start3A_520 = tpu.memref_squeeze %dma_start3A_519 : memref<1x1x2x128xi32, #tpu.memory_space<hbm>> -> memref<2x128xi32, #tpu.memory_space<hbm>>
        tpu.enqueue_dma source(%dma_start3A_520 : memref<2x128xi32, #tpu.memory_space<hbm>>) target(%arg10 : memref<2x128xi32, #tpu.memory_space<vmem>>) target_semaphore(%arg30 : memref<!tpu.dma_semaphore, #tpu.memory_space<semaphore_mem>>)
        %add3A_521 = arith.constant 1 : i32
        %add3A_522 = arith.addi %scan3A_195, %add3A_521 : i32
        %mul3A_523 = arith.constant 8 : i32
        %mul3A_524 = arith.muli %add3A_522, %mul3A_523 : i32
        %add3A_525 = arith.constant 2 : i32
        %add3A_526 = arith.addi %mul3A_524, %add3A_525 : i32
        %dma_start3A_527 = arith.constant 0 : i32
        %dma_start3A_528 = arith.constant 0 : i32
        %dma_start3A_529 = tpu.memref_slice %arg5[%arg1, %add3A_526, %dma_start3A_527, %dma_start3A_528] : memref<16x160x2x128xi32, #tpu.memory_space<hbm>> -> memref<1x1x2x128xi32, #tpu.memory_space<hbm>>
        %dma_start3A_530 = tpu.memref_squeeze %dma_start3A_529 : memref<1x1x2x128xi32, #tpu.memory_space<hbm>> -> memref<2x128xi32, #tpu.memory_space<hbm>>
        %dma_start3A_531 = arith.constant 0 : i32
        %dma_start3A_532 = arith.constant 0 : i32
        %dma_start3A_533 = tpu.memref_slice %arg5[%arg1, %add3A_526, %dma_start3A_531, %dma_start3A_532] : memref<16x160x2x128xi32, #tpu.memory_space<hbm>> -> memref<1x1x2x128xi32, #tpu.memory_space<hbm>>
        %dma_start3A_534 = tpu.memref_squeeze %dma_start3A_533 : memref<1x1x2x128xi32, #tpu.memory_space<hbm>> -> memref<2x128xi32, #tpu.memory_space<hbm>>
        tpu.enqueue_dma source(%dma_start3A_534 : memref<2x128xi32, #tpu.memory_space<hbm>>) target(%arg11 : memref<2x128xi32, #tpu.memory_space<vmem>>) target_semaphore(%arg31 : memref<!tpu.dma_semaphore, #tpu.memory_space<semaphore_mem>>)
        %add3A_535 = arith.constant 1 : i32
        %add3A_536 = arith.addi %scan3A_195, %add3A_535 : i32
        %mul3A_537 = arith.constant 8 : i32
        %mul3A_538 = arith.muli %add3A_536, %mul3A_537 : i32
        %add3A_539 = arith.constant 3 : i32
        %add3A_540 = arith.addi %mul3A_538, %add3A_539 : i32
        %dma_start3A_541 = arith.constant 0 : i32
        %dma_start3A_542 = arith.constant 0 : i32
        %dma_start3A_543 = tpu.memref_slice %arg5[%arg1, %add3A_540, %dma_start3A_541, %dma_start3A_542] : memref<16x160x2x128xi32, #tpu.memory_space<hbm>> -> memref<1x1x2x128xi32, #tpu.memory_space<hbm>>
        %dma_start3A_544 = tpu.memref_squeeze %dma_start3A_543 : memref<1x1x2x128xi32, #tpu.memory_space<hbm>> -> memref<2x128xi32, #tpu.memory_space<hbm>>
        %dma_start3A_545 = arith.constant 0 : i32
        %dma_start3A_546 = arith.constant 0 : i32
        %dma_start3A_547 = tpu.memref_slice %arg5[%arg1, %add3A_540, %dma_start3A_545, %dma_start3A_546] : memref<16x160x2x128xi32, #tpu.memory_space<hbm>> -> memref<1x1x2x128xi32, #tpu.memory_space<hbm>>
        %dma_start3A_548 = tpu.memref_squeeze %dma_start3A_547 : memref<1x1x2x128xi32, #tpu.memory_space<hbm>> -> memref<2x128xi32, #tpu.memory_space<hbm>>
        tpu.enqueue_dma source(%dma_start3A_548 : memref<2x128xi32, #tpu.memory_space<hbm>>) target(%arg12 : memref<2x128xi32, #tpu.memory_space<vmem>>) target_semaphore(%arg32 : memref<!tpu.dma_semaphore, #tpu.memory_space<semaphore_mem>>)
        %add3A_549 = arith.constant 1 : i32
        %add3A_550 = arith.addi %scan3A_195, %add3A_549 : i32
        %mul3A_551 = arith.constant 8 : i32
        %mul3A_552 = arith.muli %add3A_550, %mul3A_551 : i32
        %add3A_553 = arith.constant 4 : i32
        %add3A_554 = arith.addi %mul3A_552, %add3A_553 : i32
        %dma_start3A_555 = arith.constant 0 : i32
        %dma_start3A_556 = arith.constant 0 : i32
        %dma_start3A_557 = tpu.memref_slice %arg5[%arg1, %add3A_554, %dma_start3A_555, %dma_start3A_556] : memref<16x160x2x128xi32, #tpu.memory_space<hbm>> -> memref<1x1x2x128xi32, #tpu.memory_space<hbm>>
        %dma_start3A_558 = tpu.memref_squeeze %dma_start3A_557 : memref<1x1x2x128xi32, #tpu.memory_space<hbm>> -> memref<2x128xi32, #tpu.memory_space<hbm>>
        %dma_start3A_559 = arith.constant 0 : i32
        %dma_start3A_560 = arith.constant 0 : i32
        %dma_start3A_561 = tpu.memref_slice %arg5[%arg1, %add3A_554, %dma_start3A_559, %dma_start3A_560] : memref<16x160x2x128xi32, #tpu.memory_space<hbm>> -> memref<1x1x2x128xi32, #tpu.memory_space<hbm>>
        %dma_start3A_562 = tpu.memref_squeeze %dma_start3A_561 : memref<1x1x2x128xi32, #tpu.memory_space<hbm>> -> memref<2x128xi32, #tpu.memory_space<hbm>>
        tpu.enqueue_dma source(%dma_start3A_562 : memref<2x128xi32, #tpu.memory_space<hbm>>) target(%arg13 : memref<2x128xi32, #tpu.memory_space<vmem>>) target_semaphore(%arg33 : memref<!tpu.dma_semaphore, #tpu.memory_space<semaphore_mem>>)
        %add3A_563 = arith.constant 1 : i32
        %add3A_564 = arith.addi %scan3A_195, %add3A_563 : i32
        %mul3A_565 = arith.constant 8 : i32
        %mul3A_566 = arith.muli %add3A_564, %mul3A_565 : i32
        %add3A_567 = arith.constant 5 : i32
        %add3A_568 = arith.addi %mul3A_566, %add3A_567 : i32
        %dma_start3A_569 = arith.constant 0 : i32
        %dma_start3A_570 = arith.constant 0 : i32
        %dma_start3A_571 = tpu.memref_slice %arg5[%arg1, %add3A_568, %dma_start3A_569, %dma_start3A_570] : memref<16x160x2x128xi32, #tpu.memory_space<hbm>> -> memref<1x1x2x128xi32, #tpu.memory_space<hbm>>
        %dma_start3A_572 = tpu.memref_squeeze %dma_start3A_571 : memref<1x1x2x128xi32, #tpu.memory_space<hbm>> -> memref<2x128xi32, #tpu.memory_space<hbm>>
        %dma_start3A_573 = arith.constant 0 : i32
        %dma_start3A_574 = arith.constant 0 : i32
        %dma_start3A_575 = tpu.memref_slice %arg5[%arg1, %add3A_568, %dma_start3A_573, %dma_start3A_574] : memref<16x160x2x128xi32, #tpu.memory_space<hbm>> -> memref<1x1x2x128xi32, #tpu.memory_space<hbm>>
        %dma_start3A_576 = tpu.memref_squeeze %dma_start3A_575 : memref<1x1x2x128xi32, #tpu.memory_space<hbm>> -> memref<2x128xi32, #tpu.memory_space<hbm>>
        tpu.enqueue_dma source(%dma_start3A_576 : memref<2x128xi32, #tpu.memory_space<hbm>>) target(%arg14 : memref<2x128xi32, #tpu.memory_space<vmem>>) target_semaphore(%arg34 : memref<!tpu.dma_semaphore, #tpu.memory_space<semaphore_mem>>)
        %add3A_577 = arith.constant 1 : i32
        %add3A_578 = arith.addi %scan3A_195, %add3A_577 : i32
        %mul3A_579 = arith.constant 8 : i32
        %mul3A_580 = arith.muli %add3A_578, %mul3A_579 : i32
        %add3A_581 = arith.constant 6 : i32
        %add3A_582 = arith.addi %mul3A_580, %add3A_581 : i32
        %dma_start3A_583 = arith.constant 0 : i32
        %dma_start3A_584 = arith.constant 0 : i32
        %dma_start3A_585 = tpu.memref_slice %arg5[%arg1, %add3A_582, %dma_start3A_583, %dma_start3A_584] : memref<16x160x2x128xi32, #tpu.memory_space<hbm>> -> memref<1x1x2x128xi32, #tpu.memory_space<hbm>>
        %dma_start3A_586 = tpu.memref_squeeze %dma_start3A_585 : memref<1x1x2x128xi32, #tpu.memory_space<hbm>> -> memref<2x128xi32, #tpu.memory_space<hbm>>
        %dma_start3A_587 = arith.constant 0 : i32
        %dma_start3A_588 = arith.constant 0 : i32
        %dma_start3A_589 = tpu.memref_slice %arg5[%arg1, %add3A_582, %dma_start3A_587, %dma_start3A_588] : memref<16x160x2x128xi32, #tpu.memory_space<hbm>> -> memref<1x1x2x128xi32, #tpu.memory_space<hbm>>
        %dma_start3A_590 = tpu.memref_squeeze %dma_start3A_589 : memref<1x1x2x128xi32, #tpu.memory_space<hbm>> -> memref<2x128xi32, #tpu.memory_space<hbm>>
        tpu.enqueue_dma source(%dma_start3A_590 : memref<2x128xi32, #tpu.memory_space<hbm>>) target(%arg15 : memref<2x128xi32, #tpu.memory_space<vmem>>) target_semaphore(%arg35 : memref<!tpu.dma_semaphore, #tpu.memory_space<semaphore_mem>>)
        %add3A_591 = arith.constant 1 : i32
        %add3A_592 = arith.addi %scan3A_195, %add3A_591 : i32
        %mul3A_593 = arith.constant 8 : i32
        %mul3A_594 = arith.muli %add3A_592, %mul3A_593 : i32
        %add3A_595 = arith.constant 7 : i32
        %add3A_596 = arith.addi %mul3A_594, %add3A_595 : i32
        %dma_start3A_597 = arith.constant 0 : i32
        %dma_start3A_598 = arith.constant 0 : i32
        %dma_start3A_599 = tpu.memref_slice %arg5[%arg1, %add3A_596, %dma_start3A_597, %dma_start3A_598] : memref<16x160x2x128xi32, #tpu.memory_space<hbm>> -> memref<1x1x2x128xi32, #tpu.memory_space<hbm>>
        %dma_start3A_600 = tpu.memref_squeeze %dma_start3A_599 : memref<1x1x2x128xi32, #tpu.memory_space<hbm>> -> memref<2x128xi32, #tpu.memory_space<hbm>>
        %dma_start3A_601 = arith.constant 0 : i32
        %dma_start3A_602 = arith.constant 0 : i32
        %dma_start3A_603 = tpu.memref_slice %arg5[%arg1, %add3A_596, %dma_start3A_601, %dma_start3A_602] : memref<16x160x2x128xi32, #tpu.memory_space<hbm>> -> memref<1x1x2x128xi32, #tpu.memory_space<hbm>>
        %dma_start3A_604 = tpu.memref_squeeze %dma_start3A_603 : memref<1x1x2x128xi32, #tpu.memory_space<hbm>> -> memref<2x128xi32, #tpu.memory_space<hbm>>
        tpu.enqueue_dma source(%dma_start3A_604 : memref<2x128xi32, #tpu.memory_space<hbm>>) target(%arg16 : memref<2x128xi32, #tpu.memory_space<vmem>>) target_semaphore(%arg36 : memref<!tpu.dma_semaphore, #tpu.memory_space<semaphore_mem>>)
      } else {
      }
    }
    %scan3A_93 = arith.constant 20 : i32
    %barrier3A_94 = arith.constant 0 : index
    tpu.barrier barrier_id(%barrier3A_94)
    %dma_start3A_95 = arith.constant 0 : i32
    %dma_start3A_96 = tpu.memref_slice %arg7[%mul3A_0, %dma_start3A_95] : memref<10240x32xf32, #tpu.memory_space<vmem_shared>> -> memref<640x32xf32, #tpu.memory_space<vmem_shared>>
    %dma_start3A_97 = arith.constant 0 : i32
    %dma_start3A_98 = tpu.memref_slice %arg4[%arg0, %mul3A_0, %dma_start3A_97] : memref<2x10240x32xf32, #tpu.memory_space<hbm>> -> memref<1x640x32xf32, #tpu.memory_space<hbm>>
    %dma_start3A_99 = tpu.memref_squeeze %dma_start3A_98 : memref<1x640x32xf32, #tpu.memory_space<hbm>> -> memref<640x32xf32, #tpu.memory_space<hbm>>
    tpu.enqueue_dma source(%dma_start3A_99 : memref<640x32xf32, #tpu.memory_space<hbm>>) target(%dma_start3A_96 : memref<640x32xf32, #tpu.memory_space<vmem_shared>>) target_semaphore(%arg27 : memref<!tpu.dma_semaphore, #tpu.memory_space<semaphore_mem>>)
    %dma_start3A_100 = arith.constant 0 : i32
    %dma_start3A_101 = arith.constant 0 : i32
    %dma_start3A_102 = arith.constant 0 : i32
    %dma_start3A_103 = tpu.memref_slice %arg5[%arg1, %dma_start3A_100, %dma_start3A_101, %dma_start3A_102] : memref<16x160x2x128xi32, #tpu.memory_space<hbm>> -> memref<1x1x2x128xi32, #tpu.memory_space<hbm>>
    %dma_start3A_104 = tpu.memref_squeeze %dma_start3A_103 : memref<1x1x2x128xi32, #tpu.memory_space<hbm>> -> memref<2x128xi32, #tpu.memory_space<hbm>>
    %dma_start3A_105 = arith.constant 0 : i32
    %dma_start3A_106 = arith.constant 0 : i32
    %dma_start3A_107 = tpu.memref_slice %arg5[%arg1, %dma_start3A_100, %dma_start3A_105, %dma_start3A_106] : memref<16x160x2x128xi32, #tpu.memory_space<hbm>> -> memref<1x1x2x128xi32, #tpu.memory_space<hbm>>
    %dma_start3A_108 = tpu.memref_squeeze %dma_start3A_107 : memref<1x1x2x128xi32, #tpu.memory_space<hbm>> -> memref<2x128xi32, #tpu.memory_space<hbm>>
    tpu.enqueue_dma source(%dma_start3A_108 : memref<2x128xi32, #tpu.memory_space<hbm>>) target(%arg9 : memref<2x128xi32, #tpu.memory_space<vmem>>) target_semaphore(%arg29 : memref<!tpu.dma_semaphore, #tpu.memory_space<semaphore_mem>>)
    %dma_start3A_109 = arith.constant 1 : i32
    %dma_start3A_110 = arith.constant 0 : i32
    %dma_start3A_111 = arith.constant 0 : i32
    %dma_start3A_112 = tpu.memref_slice %arg5[%arg1, %dma_start3A_109, %dma_start3A_110, %dma_start3A_111] : memref<16x160x2x128xi32, #tpu.memory_space<hbm>> -> memref<1x1x2x128xi32, #tpu.memory_space<hbm>>
    %dma_start3A_113 = tpu.memref_squeeze %dma_start3A_112 : memref<1x1x2x128xi32, #tpu.memory_space<hbm>> -> memref<2x128xi32, #tpu.memory_space<hbm>>
    %dma_start3A_114 = arith.constant 0 : i32
    %dma_start3A_115 = arith.constant 0 : i32
    %dma_start3A_116 = tpu.memref_slice %arg5[%arg1, %dma_start3A_109, %dma_start3A_114, %dma_start3A_115] : memref<16x160x2x128xi32, #tpu.memory_space<hbm>> -> memref<1x1x2x128xi32, #tpu.memory_space<hbm>>
    %dma_start3A_117 = tpu.memref_squeeze %dma_start3A_116 : memref<1x1x2x128xi32, #tpu.memory_space<hbm>> -> memref<2x128xi32, #tpu.memory_space<hbm>>
    tpu.enqueue_dma source(%dma_start3A_117 : memref<2x128xi32, #tpu.memory_space<hbm>>) target(%arg10 : memref<2x128xi32, #tpu.memory_space<vmem>>) target_semaphore(%arg30 : memref<!tpu.dma_semaphore, #tpu.memory_space<semaphore_mem>>)
    %dma_start3A_118 = arith.constant 2 : i32
    %dma_start3A_119 = arith.constant 0 : i32
    %dma_start3A_120 = arith.constant 0 : i32
    %dma_start3A_121 = tpu.memref_slice %arg5[%arg1, %dma_start3A_118, %dma_start3A_119, %dma_start3A_120] : memref<16x160x2x128xi32, #tpu.memory_space<hbm>> -> memref<1x1x2x128xi32, #tpu.memory_space<hbm>>
    %dma_start3A_122 = tpu.memref_squeeze %dma_start3A_121 : memref<1x1x2x128xi32, #tpu.memory_space<hbm>> -> memref<2x128xi32, #tpu.memory_space<hbm>>
    %dma_start3A_123 = arith.constant 0 : i32
    %dma_start3A_124 = arith.constant 0 : i32
    %dma_start3A_125 = tpu.memref_slice %arg5[%arg1, %dma_start3A_118, %dma_start3A_123, %dma_start3A_124] : memref<16x160x2x128xi32, #tpu.memory_space<hbm>> -> memref<1x1x2x128xi32, #tpu.memory_space<hbm>>
    %dma_start3A_126 = tpu.memref_squeeze %dma_start3A_125 : memref<1x1x2x128xi32, #tpu.memory_space<hbm>> -> memref<2x128xi32, #tpu.memory_space<hbm>>
    tpu.enqueue_dma source(%dma_start3A_126 : memref<2x128xi32, #tpu.memory_space<hbm>>) target(%arg11 : memref<2x128xi32, #tpu.memory_space<vmem>>) target_semaphore(%arg31 : memref<!tpu.dma_semaphore, #tpu.memory_space<semaphore_mem>>)
    %dma_start3A_127 = arith.constant 3 : i32
    %dma_start3A_128 = arith.constant 0 : i32
    %dma_start3A_129 = arith.constant 0 : i32
    %dma_start3A_130 = tpu.memref_slice %arg5[%arg1, %dma_start3A_127, %dma_start3A_128, %dma_start3A_129] : memref<16x160x2x128xi32, #tpu.memory_space<hbm>> -> memref<1x1x2x128xi32, #tpu.memory_space<hbm>>
    %dma_start3A_131 = tpu.memref_squeeze %dma_start3A_130 : memref<1x1x2x128xi32, #tpu.memory_space<hbm>> -> memref<2x128xi32, #tpu.memory_space<hbm>>
    %dma_start3A_132 = arith.constant 0 : i32
    %dma_start3A_133 = arith.constant 0 : i32
    %dma_start3A_134 = tpu.memref_slice %arg5[%arg1, %dma_start3A_127, %dma_start3A_132, %dma_start3A_133] : memref<16x160x2x128xi32, #tpu.memory_space<hbm>> -> memref<1x1x2x128xi32, #tpu.memory_space<hbm>>
    %dma_start3A_135 = tpu.memref_squeeze %dma_start3A_134 : memref<1x1x2x128xi32, #tpu.memory_space<hbm>> -> memref<2x128xi32, #tpu.memory_space<hbm>>
    tpu.enqueue_dma source(%dma_start3A_135 : memref<2x128xi32, #tpu.memory_space<hbm>>) target(%arg12 : memref<2x128xi32, #tpu.memory_space<vmem>>) target_semaphore(%arg32 : memref<!tpu.dma_semaphore, #tpu.memory_space<semaphore_mem>>)
    %dma_start3A_136 = arith.constant 4 : i32
    %dma_start3A_137 = arith.constant 0 : i32
    %dma_start3A_138 = arith.constant 0 : i32
    %dma_start3A_139 = tpu.memref_slice %arg5[%arg1, %dma_start3A_136, %dma_start3A_137, %dma_start3A_138] : memref<16x160x2x128xi32, #tpu.memory_space<hbm>> -> memref<1x1x2x128xi32, #tpu.memory_space<hbm>>
    %dma_start3A_140 = tpu.memref_squeeze %dma_start3A_139 : memref<1x1x2x128xi32, #tpu.memory_space<hbm>> -> memref<2x128xi32, #tpu.memory_space<hbm>>
    %dma_start3A_141 = arith.constant 0 : i32
    %dma_start3A_142 = arith.constant 0 : i32
    %dma_start3A_143 = tpu.memref_slice %arg5[%arg1, %dma_start3A_136, %dma_start3A_141, %dma_start3A_142] : memref<16x160x2x128xi32, #tpu.memory_space<hbm>> -> memref<1x1x2x128xi32, #tpu.memory_space<hbm>>
    %dma_start3A_144 = tpu.memref_squeeze %dma_start3A_143 : memref<1x1x2x128xi32, #tpu.memory_space<hbm>> -> memref<2x128xi32, #tpu.memory_space<hbm>>
    tpu.enqueue_dma source(%dma_start3A_144 : memref<2x128xi32, #tpu.memory_space<hbm>>) target(%arg13 : memref<2x128xi32, #tpu.memory_space<vmem>>) target_semaphore(%arg33 : memref<!tpu.dma_semaphore, #tpu.memory_space<semaphore_mem>>)
    %dma_start3A_145 = arith.constant 5 : i32
    %dma_start3A_146 = arith.constant 0 : i32
    %dma_start3A_147 = arith.constant 0 : i32
    %dma_start3A_148 = tpu.memref_slice %arg5[%arg1, %dma_start3A_145, %dma_start3A_146, %dma_start3A_147] : memref<16x160x2x128xi32, #tpu.memory_space<hbm>> -> memref<1x1x2x128xi32, #tpu.memory_space<hbm>>
    %dma_start3A_149 = tpu.memref_squeeze %dma_start3A_148 : memref<1x1x2x128xi32, #tpu.memory_space<hbm>> -> memref<2x128xi32, #tpu.memory_space<hbm>>
    %dma_start3A_150 = arith.constant 0 : i32
    %dma_start3A_151 = arith.constant 0 : i32
    %dma_start3A_152 = tpu.memref_slice %arg5[%arg1, %dma_start3A_145, %dma_start3A_150, %dma_start3A_151] : memref<16x160x2x128xi32, #tpu.memory_space<hbm>> -> memref<1x1x2x128xi32, #tpu.memory_space<hbm>>
    %dma_start3A_153 = tpu.memref_squeeze %dma_start3A_152 : memref<1x1x2x128xi32, #tpu.memory_space<hbm>> -> memref<2x128xi32, #tpu.memory_space<hbm>>
    tpu.enqueue_dma source(%dma_start3A_153 : memref<2x128xi32, #tpu.memory_space<hbm>>) target(%arg14 : memref<2x128xi32, #tpu.memory_space<vmem>>) target_semaphore(%arg34 : memref<!tpu.dma_semaphore, #tpu.memory_space<semaphore_mem>>)
    %dma_start3A_154 = arith.constant 6 : i32
    %dma_start3A_155 = arith.constant 0 : i32
    %dma_start3A_156 = arith.constant 0 : i32
    %dma_start3A_157 = tpu.memref_slice %arg5[%arg1, %dma_start3A_154, %dma_start3A_155, %dma_start3A_156] : memref<16x160x2x128xi32, #tpu.memory_space<hbm>> -> memref<1x1x2x128xi32, #tpu.memory_space<hbm>>
    %dma_start3A_158 = tpu.memref_squeeze %dma_start3A_157 : memref<1x1x2x128xi32, #tpu.memory_space<hbm>> -> memref<2x128xi32, #tpu.memory_space<hbm>>
    %dma_start3A_159 = arith.constant 0 : i32
    %dma_start3A_160 = arith.constant 0 : i32
    %dma_start3A_161 = tpu.memref_slice %arg5[%arg1, %dma_start3A_154, %dma_start3A_159, %dma_start3A_160] : memref<16x160x2x128xi32, #tpu.memory_space<hbm>> -> memref<1x1x2x128xi32, #tpu.memory_space<hbm>>
    %dma_start3A_162 = tpu.memref_squeeze %dma_start3A_161 : memref<1x1x2x128xi32, #tpu.memory_space<hbm>> -> memref<2x128xi32, #tpu.memory_space<hbm>>
    tpu.enqueue_dma source(%dma_start3A_162 : memref<2x128xi32, #tpu.memory_space<hbm>>) target(%arg15 : memref<2x128xi32, #tpu.memory_space<vmem>>) target_semaphore(%arg35 : memref<!tpu.dma_semaphore, #tpu.memory_space<semaphore_mem>>)
    %dma_start3A_163 = arith.constant 7 : i32
    %dma_start3A_164 = arith.constant 0 : i32
    %dma_start3A_165 = arith.constant 0 : i32
    %dma_start3A_166 = tpu.memref_slice %arg5[%arg1, %dma_start3A_163, %dma_start3A_164, %dma_start3A_165] : memref<16x160x2x128xi32, #tpu.memory_space<hbm>> -> memref<1x1x2x128xi32, #tpu.memory_space<hbm>>
    %dma_start3A_167 = tpu.memref_squeeze %dma_start3A_166 : memref<1x1x2x128xi32, #tpu.memory_space<hbm>> -> memref<2x128xi32, #tpu.memory_space<hbm>>
    %dma_start3A_168 = arith.constant 0 : i32
    %dma_start3A_169 = arith.constant 0 : i32
    %dma_start3A_170 = tpu.memref_slice %arg5[%arg1, %dma_start3A_163, %dma_start3A_168, %dma_start3A_169] : memref<16x160x2x128xi32, #tpu.memory_space<hbm>> -> memref<1x1x2x128xi32, #tpu.memory_space<hbm>>
    %dma_start3A_171 = tpu.memref_squeeze %dma_start3A_170 : memref<1x1x2x128xi32, #tpu.memory_space<hbm>> -> memref<2x128xi32, #tpu.memory_space<hbm>>
    tpu.enqueue_dma source(%dma_start3A_171 : memref<2x128xi32, #tpu.memory_space<hbm>>) target(%arg16 : memref<2x128xi32, #tpu.memory_space<vmem>>) target_semaphore(%arg36 : memref<!tpu.dma_semaphore, #tpu.memory_space<semaphore_mem>>)
    %dma_wait3A_172 = arith.constant 0 : i32
    %dma_wait3A_173 = tpu.memref_slice %arg7[%mul3A_0, %dma_wait3A_172] : memref<10240x32xf32, #tpu.memory_space<vmem_shared>> -> memref<640x32xf32, #tpu.memory_space<vmem_shared>>
    %dma_wait3A_174 = arith.constant 0 : i32
    %dma_wait3A_175 = tpu.memref_slice %arg4[%arg0, %mul3A_0, %dma_wait3A_174] : memref<2x10240x32xf32, #tpu.memory_space<hbm>> -> memref<1x640x32xf32, #tpu.memory_space<hbm>>
    %dma_wait3A_176 = tpu.memref_squeeze %dma_wait3A_175 : memref<1x640x32xf32, #tpu.memory_space<hbm>> -> memref<640x32xf32, #tpu.memory_space<hbm>>
    tpu.wait_dma2 semaphore(%arg27 : memref<!tpu.dma_semaphore, #tpu.memory_space<semaphore_mem>>) src(%dma_wait3A_176 : memref<640x32xf32, #tpu.memory_space<hbm>>) dst(%dma_wait3A_173 : memref<640x32xf32, #tpu.memory_space<vmem_shared>>)
    %barrier3A_177 = arith.constant 0 : index
    tpu.barrier barrier_id(%barrier3A_177)
    %scan3A_178 = arith.constant 0 : i32
    %scan3A_179 = arith.constant 0 : i32
    %scan3A_180 = arith.constant 20 : i32
    %scan3A_181 = arith.addi %scan3A_179, %scan3A_180 : i32
    %scan3A_182 = arith.constant 1 : i32
    scf.for %scan3A_195 = %scan3A_179 to %scan3A_181 step %scan3A_182  : i32 {
      %dma_wait3A_196 = arith.constant 0 : i32
      %dma_wait3A_197 = arith.constant 0 : i32
      %dma_wait3A_198 = arith.constant 0 : i32
      %dma_wait3A_199 = tpu.memref_slice %arg5[%arg1, %dma_wait3A_196, %dma_wait3A_197, %dma_wait3A_198] : memref<16x160x2x128xi32, #tpu.memory_space<hbm>> -> memref<1x1x2x128xi32, #tpu.memory_space<hbm>>
      %dma_wait3A_200 = tpu.memref_squeeze %dma_wait3A_199 : memref<1x1x2x128xi32, #tpu.memory_space<hbm>> -> memref<2x128xi32, #tpu.memory_space<hbm>>
      %dma_wait3A_201 = arith.constant 0 : i32
      %dma_wait3A_202 = arith.constant 0 : i32
      %dma_wait3A_203 = tpu.memref_slice %arg5[%arg1, %dma_wait3A_196, %dma_wait3A_201, %dma_wait3A_202] : memref<16x160x2x128xi32, #tpu.memory_space<hbm>> -> memref<1x1x2x128xi32, #tpu.memory_space<hbm>>
      %dma_wait3A_204 = tpu.memref_squeeze %dma_wait3A_203 : memref<1x1x2x128xi32, #tpu.memory_space<hbm>> -> memref<2x128xi32, #tpu.memory_space<hbm>>
      tpu.wait_dma2 semaphore(%arg29 : memref<!tpu.dma_semaphore, #tpu.memory_space<semaphore_mem>>) src(%dma_wait3A_204 : memref<2x128xi32, #tpu.memory_space<hbm>>) dst(%arg9 : memref<2x128xi32, #tpu.memory_space<vmem>>)
      %dma_start3A_205 = arith.constant 0 : i32
      %dma_start3A_206 = arith.constant 0 : i32
      %dma_start3A_207 = tpu.memref_slice %arg9[%dma_start3A_205, %dma_start3A_206] : memref<2x128xi32, #tpu.memory_space<vmem>> -> memref<1x128xi32, #tpu.memory_space<vmem>>
      %dma_start3A_208 = tpu.memref_squeeze %dma_start3A_207 : memref<1x128xi32, #tpu.memory_space<vmem>> -> memref<128xi32, #tpu.memory_space<vmem>>
      %dma_start3A_209 = arith.constant 0 : i32
      %dma_start3A_210 = arith.constant 0 : i32
      %dma_start3A_211 = tpu.memref_slice %arg8[%dma_start3A_209, %dma_start3A_210] : memref<10240x32xf32, #tpu.memory_space<vmem_shared>> -> memref<10240x32xf32, #tpu.memory_space<vmem_shared>>
      tpu.enqueue_indirect_dma source(%dma_start3A_211 : memref<10240x32xf32, #tpu.memory_space<vmem_shared>>) target(%arg17 : memref<128x32xf32, #tpu.memory_space<vmem>>) offsets(%dma_start3A_208 : memref<128xi32, #tpu.memory_space<vmem>>) semaphore(%arg37 : memref<!tpu.dma_semaphore, #tpu.memory_space<semaphore_mem>>)
      %dma_wait3A_212 = arith.constant 0 : i32
      %dma_wait3A_213 = arith.constant 0 : i32
      %dma_wait3A_214 = arith.constant 0 : i32
      %dma_wait3A_215 = tpu.memref_slice %arg5[%arg1, %dma_wait3A_212, %dma_wait3A_213, %dma_wait3A_214] : memref<16x160x2x128xi32, #tpu.memory_space<hbm>> -> memref<1x1x2x128xi32, #tpu.memory_space<hbm>>
      %dma_wait3A_216 = tpu.memref_squeeze %dma_wait3A_215 : memref<1x1x2x128xi32, #tpu.memory_space<hbm>> -> memref<2x128xi32, #tpu.memory_space<hbm>>
      %dma_wait3A_217 = arith.constant 0 : i32
      %dma_wait3A_218 = arith.constant 0 : i32
      %dma_wait3A_219 = tpu.memref_slice %arg5[%arg1, %dma_wait3A_212, %dma_wait3A_217, %dma_wait3A_218] : memref<16x160x2x128xi32, #tpu.memory_space<hbm>> -> memref<1x1x2x128xi32, #tpu.memory_space<hbm>>
      %dma_wait3A_220 = tpu.memref_squeeze %dma_wait3A_219 : memref<1x1x2x128xi32, #tpu.memory_space<hbm>> -> memref<2x128xi32, #tpu.memory_space<hbm>>
      tpu.wait_dma2 semaphore(%arg30 : memref<!tpu.dma_semaphore, #tpu.memory_space<semaphore_mem>>) src(%dma_wait3A_220 : memref<2x128xi32, #tpu.memory_space<hbm>>) dst(%arg10 : memref<2x128xi32, #tpu.memory_space<vmem>>)
      %dma_start3A_221 = arith.constant 0 : i32
      %dma_start3A_222 = arith.constant 0 : i32
      %dma_start3A_223 = tpu.memref_slice %arg10[%dma_start3A_221, %dma_start3A_222] : memref<2x128xi32, #tpu.memory_space<vmem>> -> memref<1x128xi32, #tpu.memory_space<vmem>>
      %dma_start3A_224 = tpu.memref_squeeze %dma_start3A_223 : memref<1x128xi32, #tpu.memory_space<vmem>> -> memref<128xi32, #tpu.memory_space<vmem>>
      %dma_start3A_225 = arith.constant 0 : i32
      %dma_start3A_226 = arith.constant 0 : i32
      %dma_start3A_227 = tpu.memref_slice %arg8[%dma_start3A_225, %dma_start3A_226] : memref<10240x32xf32, #tpu.memory_space<vmem_shared>> -> memref<10240x32xf32, #tpu.memory_space<vmem_shared>>
      tpu.enqueue_indirect_dma source(%dma_start3A_227 : memref<10240x32xf32, #tpu.memory_space<vmem_shared>>) target(%arg18 : memref<128x32xf32, #tpu.memory_space<vmem>>) offsets(%dma_start3A_224 : memref<128xi32, #tpu.memory_space<vmem>>) semaphore(%arg38 : memref<!tpu.dma_semaphore, #tpu.memory_space<semaphore_mem>>)
      %dma_wait3A_228 = arith.constant 0 : i32
      %dma_wait3A_229 = arith.constant 0 : i32
      %dma_wait3A_230 = arith.constant 0 : i32
      %dma_wait3A_231 = tpu.memref_slice %arg5[%arg1, %dma_wait3A_228, %dma_wait3A_229, %dma_wait3A_230] : memref<16x160x2x128xi32, #tpu.memory_space<hbm>> -> memref<1x1x2x128xi32, #tpu.memory_space<hbm>>
      %dma_wait3A_232 = tpu.memref_squeeze %dma_wait3A_231 : memref<1x1x2x128xi32, #tpu.memory_space<hbm>> -> memref<2x128xi32, #tpu.memory_space<hbm>>
      %dma_wait3A_233 = arith.constant 0 : i32
      %dma_wait3A_234 = arith.constant 0 : i32
      %dma_wait3A_235 = tpu.memref_slice %arg5[%arg1, %dma_wait3A_228, %dma_wait3A_233, %dma_wait3A_234] : memref<16x160x2x128xi32, #tpu.memory_space<hbm>> -> memref<1x1x2x128xi32, #tpu.memory_space<hbm>>
      %dma_wait3A_236 = tpu.memref_squeeze %dma_wait3A_235 : memref<1x1x2x128xi32, #tpu.memory_space<hbm>> -> memref<2x128xi32, #tpu.memory_space<hbm>>
      tpu.wait_dma2 semaphore(%arg31 : memref<!tpu.dma_semaphore, #tpu.memory_space<semaphore_mem>>) src(%dma_wait3A_236 : memref<2x128xi32, #tpu.memory_space<hbm>>) dst(%arg11 : memref<2x128xi32, #tpu.memory_space<vmem>>)
      %dma_start3A_237 = arith.constant 0 : i32
      %dma_start3A_238 = arith.constant 0 : i32
      %dma_start3A_239 = tpu.memref_slice %arg11[%dma_start3A_237, %dma_start3A_238] : memref<2x128xi32, #tpu.memory_space<vmem>> -> memref<1x128xi32, #tpu.memory_space<vmem>>
      %dma_start3A_240 = tpu.memref_squeeze %dma_start3A_239 : memref<1x128xi32, #tpu.memory_space<vmem>> -> memref<128xi32, #tpu.memory_space<vmem>>
      %dma_start3A_241 = arith.constant 0 : i32
      %dma_start3A_242 = arith.constant 0 : i32
      %dma_start3A_243 = tpu.memref_slice %arg8[%dma_start3A_241, %dma_start3A_242] : memref<10240x32xf32, #tpu.memory_space<vmem_shared>> -> memref<10240x32xf32, #tpu.memory_space<vmem_shared>>
      tpu.enqueue_indirect_dma source(%dma_start3A_243 : memref<10240x32xf32, #tpu.memory_space<vmem_shared>>) target(%arg19 : memref<128x32xf32, #tpu.memory_space<vmem>>) offsets(%dma_start3A_240 : memref<128xi32, #tpu.memory_space<vmem>>) semaphore(%arg39 : memref<!tpu.dma_semaphore, #tpu.memory_space<semaphore_mem>>)
      %dma_wait3A_244 = arith.constant 0 : i32
      %dma_wait3A_245 = arith.constant 0 : i32
      %dma_wait3A_246 = arith.constant 0 : i32
      %dma_wait3A_247 = tpu.memref_slice %arg5[%arg1, %dma_wait3A_244, %dma_wait3A_245, %dma_wait3A_246] : memref<16x160x2x128xi32, #tpu.memory_space<hbm>> -> memref<1x1x2x128xi32, #tpu.memory_space<hbm>>
      %dma_wait3A_248 = tpu.memref_squeeze %dma_wait3A_247 : memref<1x1x2x128xi32, #tpu.memory_space<hbm>> -> memref<2x128xi32, #tpu.memory_space<hbm>>
      %dma_wait3A_249 = arith.constant 0 : i32
      %dma_wait3A_250 = arith.constant 0 : i32
      %dma_wait3A_251 = tpu.memref_slice %arg5[%arg1, %dma_wait3A_244, %dma_wait3A_249, %dma_wait3A_250] : memref<16x160x2x128xi32, #tpu.memory_space<hbm>> -> memref<1x1x2x128xi32, #tpu.memory_space<hbm>>
      %dma_wait3A_252 = tpu.memref_squeeze %dma_wait3A_251 : memref<1x1x2x128xi32, #tpu.memory_space<hbm>> -> memref<2x128xi32, #tpu.memory_space<hbm>>
      tpu.wait_dma2 semaphore(%arg32 : memref<!tpu.dma_semaphore, #tpu.memory_space<semaphore_mem>>) src(%dma_wait3A_252 : memref<2x128xi32, #tpu.memory_space<hbm>>) dst(%arg12 : memref<2x128xi32, #tpu.memory_space<vmem>>)
      %dma_start3A_253 = arith.constant 0 : i32
      %dma_start3A_254 = arith.constant 0 : i32
      %dma_start3A_255 = tpu.memref_slice %arg12[%dma_start3A_253, %dma_start3A_254] : memref<2x128xi32, #tpu.memory_space<vmem>> -> memref<1x128xi32, #tpu.memory_space<vmem>>
      %dma_start3A_256 = tpu.memref_squeeze %dma_start3A_255 : memref<1x128xi32, #tpu.memory_space<vmem>> -> memref<128xi32, #tpu.memory_space<vmem>>
      %dma_start3A_257 = arith.constant 0 : i32
      %dma_start3A_258 = arith.constant 0 : i32
      %dma_start3A_259 = tpu.memref_slice %arg8[%dma_start3A_257, %dma_start3A_258] : memref<10240x32xf32, #tpu.memory_space<vmem_shared>> -> memref<10240x32xf32, #tpu.memory_space<vmem_shared>>
      tpu.enqueue_indirect_dma source(%dma_start3A_259 : memref<10240x32xf32, #tpu.memory_space<vmem_shared>>) target(%arg20 : memref<128x32xf32, #tpu.memory_space<vmem>>) offsets(%dma_start3A_256 : memref<128xi32, #tpu.memory_space<vmem>>) semaphore(%arg40 : memref<!tpu.dma_semaphore, #tpu.memory_space<semaphore_mem>>)
      %dma_wait3A_260 = arith.constant 0 : i32
      %dma_wait3A_261 = arith.constant 0 : i32
      %dma_wait3A_262 = arith.constant 0 : i32
      %dma_wait3A_263 = tpu.memref_slice %arg5[%arg1, %dma_wait3A_260, %dma_wait3A_261, %dma_wait3A_262] : memref<16x160x2x128xi32, #tpu.memory_space<hbm>> -> memref<1x1x2x128xi32, #tpu.memory_space<hbm>>
      %dma_wait3A_264 = tpu.memref_squeeze %dma_wait3A_263 : memref<1x1x2x128xi32, #tpu.memory_space<hbm>> -> memref<2x128xi32, #tpu.memory_space<hbm>>
      %dma_wait3A_265 = arith.constant 0 : i32
      %dma_wait3A_266 = arith.constant 0 : i32
      %dma_wait3A_267 = tpu.memref_slice %arg5[%arg1, %dma_wait3A_260, %dma_wait3A_265, %dma_wait3A_266] : memref<16x160x2x128xi32, #tpu.memory_space<hbm>> -> memref<1x1x2x128xi32, #tpu.memory_space<hbm>>
      %dma_wait3A_268 = tpu.memref_squeeze %dma_wait3A_267 : memref<1x1x2x128xi32, #tpu.memory_space<hbm>> -> memref<2x128xi32, #tpu.memory_space<hbm>>
      tpu.wait_dma2 semaphore(%arg33 : memref<!tpu.dma_semaphore, #tpu.memory_space<semaphore_mem>>) src(%dma_wait3A_268 : memref<2x128xi32, #tpu.memory_space<hbm>>) dst(%arg13 : memref<2x128xi32, #tpu.memory_space<vmem>>)
      %dma_start3A_269 = arith.constant 0 : i32
      %dma_start3A_270 = arith.constant 0 : i32
      %dma_start3A_271 = tpu.memref_slice %arg13[%dma_start3A_269, %dma_start3A_270] : memref<2x128xi32, #tpu.memory_space<vmem>> -> memref<1x128xi32, #tpu.memory_space<vmem>>
      %dma_start3A_272 = tpu.memref_squeeze %dma_start3A_271 : memref<1x128xi32, #tpu.memory_space<vmem>> -> memref<128xi32, #tpu.memory_space<vmem>>
      %dma_start3A_273 = arith.constant 0 : i32
      %dma_start3A_274 = arith.constant 0 : i32
      %dma_start3A_275 = tpu.memref_slice %arg8[%dma_start3A_273, %dma_start3A_274] : memref<10240x32xf32, #tpu.memory_space<vmem_shared>> -> memref<10240x32xf32, #tpu.memory_space<vmem_shared>>
      tpu.enqueue_indirect_dma source(%dma_start3A_275 : memref<10240x32xf32, #tpu.memory_space<vmem_shared>>) target(%arg21 : memref<128x32xf32, #tpu.memory_space<vmem>>) offsets(%dma_start3A_272 : memref<128xi32, #tpu.memory_space<vmem>>) semaphore(%arg41 : memref<!tpu.dma_semaphore, #tpu.memory_space<semaphore_mem>>)
      %dma_wait3A_276 = arith.constant 0 : i32
      %dma_wait3A_277 = arith.constant 0 : i32
      %dma_wait3A_278 = arith.constant 0 : i32
      %dma_wait3A_279 = tpu.memref_slice %arg5[%arg1, %dma_wait3A_276, %dma_wait3A_277, %dma_wait3A_278] : memref<16x160x2x128xi32, #tpu.memory_space<hbm>> -> memref<1x1x2x128xi32, #tpu.memory_space<hbm>>
      %dma_wait3A_280 = tpu.memref_squeeze %dma_wait3A_279 : memref<1x1x2x128xi32, #tpu.memory_space<hbm>> -> memref<2x128xi32, #tpu.memory_space<hbm>>
      %dma_wait3A_281 = arith.constant 0 : i32
      %dma_wait3A_282 = arith.constant 0 : i32
      %dma_wait3A_283 = tpu.memref_slice %arg5[%arg1, %dma_wait3A_276, %dma_wait3A_281, %dma_wait3A_282] : memref<16x160x2x128xi32, #tpu.memory_space<hbm>> -> memref<1x1x2x128xi32, #tpu.memory_space<hbm>>
      %dma_wait3A_284 = tpu.memref_squeeze %dma_wait3A_283 : memref<1x1x2x128xi32, #tpu.memory_space<hbm>> -> memref<2x128xi32, #tpu.memory_space<hbm>>
      tpu.wait_dma2 semaphore(%arg34 : memref<!tpu.dma_semaphore, #tpu.memory_space<semaphore_mem>>) src(%dma_wait3A_284 : memref<2x128xi32, #tpu.memory_space<hbm>>) dst(%arg14 : memref<2x128xi32, #tpu.memory_space<vmem>>)
      %dma_start3A_285 = arith.constant 0 : i32
      %dma_start3A_286 = arith.constant 0 : i32
      %dma_start3A_287 = tpu.memref_slice %arg14[%dma_start3A_285, %dma_start3A_286] : memref<2x128xi32, #tpu.memory_space<vmem>> -> memref<1x128xi32, #tpu.memory_space<vmem>>
      %dma_start3A_288 = tpu.memref_squeeze %dma_start3A_287 : memref<1x128xi32, #tpu.memory_space<vmem>> -> memref<128xi32, #tpu.memory_space<vmem>>
      %dma_start3A_289 = arith.constant 0 : i32
      %dma_start3A_290 = arith.constant 0 : i32
      %dma_start3A_291 = tpu.memref_slice %arg8[%dma_start3A_289, %dma_start3A_290] : memref<10240x32xf32, #tpu.memory_space<vmem_shared>> -> memref<10240x32xf32, #tpu.memory_space<vmem_shared>>
      tpu.enqueue_indirect_dma source(%dma_start3A_291 : memref<10240x32xf32, #tpu.memory_space<vmem_shared>>) target(%arg22 : memref<128x32xf32, #tpu.memory_space<vmem>>) offsets(%dma_start3A_288 : memref<128xi32, #tpu.memory_space<vmem>>) semaphore(%arg42 : memref<!tpu.dma_semaphore, #tpu.memory_space<semaphore_mem>>)
      %dma_wait3A_292 = arith.constant 0 : i32
      %dma_wait3A_293 = arith.constant 0 : i32
      %dma_wait3A_294 = arith.constant 0 : i32
      %dma_wait3A_295 = tpu.memref_slice %arg5[%arg1, %dma_wait3A_292, %dma_wait3A_293, %dma_wait3A_294] : memref<16x160x2x128xi32, #tpu.memory_space<hbm>> -> memref<1x1x2x128xi32, #tpu.memory_space<hbm>>
      %dma_wait3A_296 = tpu.memref_squeeze %dma_wait3A_295 : memref<1x1x2x128xi32, #tpu.memory_space<hbm>> -> memref<2x128xi32, #tpu.memory_space<hbm>>
      %dma_wait3A_297 = arith.constant 0 : i32
      %dma_wait3A_298 = arith.constant 0 : i32
      %dma_wait3A_299 = tpu.memref_slice %arg5[%arg1, %dma_wait3A_292, %dma_wait3A_297, %dma_wait3A_298] : memref<16x160x2x128xi32, #tpu.memory_space<hbm>> -> memref<1x1x2x128xi32, #tpu.memory_space<hbm>>
      %dma_wait3A_300 = tpu.memref_squeeze %dma_wait3A_299 : memref<1x1x2x128xi32, #tpu.memory_space<hbm>> -> memref<2x128xi32, #tpu.memory_space<hbm>>
      tpu.wait_dma2 semaphore(%arg35 : memref<!tpu.dma_semaphore, #tpu.memory_space<semaphore_mem>>) src(%dma_wait3A_300 : memref<2x128xi32, #tpu.memory_space<hbm>>) dst(%arg15 : memref<2x128xi32, #tpu.memory_space<vmem>>)
      %dma_start3A_301 = arith.constant 0 : i32
      %dma_start3A_302 = arith.constant 0 : i32
      %dma_start3A_303 = tpu.memref_slice %arg15[%dma_start3A_301, %dma_start3A_302] : memref<2x128xi32, #tpu.memory_space<vmem>> -> memref<1x128xi32, #tpu.memory_space<vmem>>
      %dma_start3A_304 = tpu.memref_squeeze %dma_start3A_303 : memref<1x128xi32, #tpu.memory_space<vmem>> -> memref<128xi32, #tpu.memory_space<vmem>>
      %dma_start3A_305 = arith.constant 0 : i32
      %dma_start3A_306 = arith.constant 0 : i32
      %dma_start3A_307 = tpu.memref_slice %arg8[%dma_start3A_305, %dma_start3A_306] : memref<10240x32xf32, #tpu.memory_space<vmem_shared>> -> memref<10240x32xf32, #tpu.memory_space<vmem_shared>>
      tpu.enqueue_indirect_dma source(%dma_start3A_307 : memref<10240x32xf32, #tpu.memory_space<vmem_shared>>) target(%arg23 : memref<128x32xf32, #tpu.memory_space<vmem>>) offsets(%dma_start3A_304 : memref<128xi32, #tpu.memory_space<vmem>>) semaphore(%arg43 : memref<!tpu.dma_semaphore, #tpu.memory_space<semaphore_mem>>)
      %dma_wait3A_308 = arith.constant 0 : i32
      %dma_wait3A_309 = arith.constant 0 : i32
      %dma_wait3A_310 = arith.constant 0 : i32
      %dma_wait3A_311 = tpu.memref_slice %arg5[%arg1, %dma_wait3A_308, %dma_wait3A_309, %dma_wait3A_310] : memref<16x160x2x128xi32, #tpu.memory_space<hbm>> -> memref<1x1x2x128xi32, #tpu.memory_space<hbm>>
      %dma_wait3A_312 = tpu.memref_squeeze %dma_wait3A_311 : memref<1x1x2x128xi32, #tpu.memory_space<hbm>> -> memref<2x128xi32, #tpu.memory_space<hbm>>
      %dma_wait3A_313 = arith.constant 0 : i32
      %dma_wait3A_314 = arith.constant 0 : i32
      %dma_wait3A_315 = tpu.memref_slice %arg5[%arg1, %dma_wait3A_308, %dma_wait3A_313, %dma_wait3A_314] : memref<16x160x2x128xi32, #tpu.memory_space<hbm>> -> memref<1x1x2x128xi32, #tpu.memory_space<hbm>>
      %dma_wait3A_316 = tpu.memref_squeeze %dma_wait3A_315 : memref<1x1x2x128xi32, #tpu.memory_space<hbm>> -> memref<2x128xi32, #tpu.memory_space<hbm>>
      tpu.wait_dma2 semaphore(%arg36 : memref<!tpu.dma_semaphore, #tpu.memory_space<semaphore_mem>>) src(%dma_wait3A_316 : memref<2x128xi32, #tpu.memory_space<hbm>>) dst(%arg16 : memref<2x128xi32, #tpu.memory_space<vmem>>)
      %dma_start3A_317 = arith.constant 0 : i32
      %dma_start3A_318 = arith.constant 0 : i32
      %dma_start3A_319 = tpu.memref_slice %arg16[%dma_start3A_317, %dma_start3A_318] : memref<2x128xi32, #tpu.memory_space<vmem>> -> memref<1x128xi32, #tpu.memory_space<vmem>>
      %dma_start3A_320 = tpu.memref_squeeze %dma_start3A_319 : memref<1x128xi32, #tpu.memory_space<vmem>> -> memref<128xi32, #tpu.memory_space<vmem>>
      %dma_start3A_321 = arith.constant 0 : i32
      %dma_start3A_322 = arith.constant 0 : i32
      %dma_start3A_323 = tpu.memref_slice %arg8[%dma_start3A_321, %dma_start3A_322] : memref<10240x32xf32, #tpu.memory_space<vmem_shared>> -> memref<10240x32xf32, #tpu.memory_space<vmem_shared>>
      tpu.enqueue_indirect_dma source(%dma_start3A_323 : memref<10240x32xf32, #tpu.memory_space<vmem_shared>>) target(%arg24 : memref<128x32xf32, #tpu.memory_space<vmem>>) offsets(%dma_start3A_320 : memref<128xi32, #tpu.memory_space<vmem>>) semaphore(%arg44 : memref<!tpu.dma_semaphore, #tpu.memory_space<semaphore_mem>>)
      %dma_wait3A_324 = arith.constant 0 : i32
      %dma_wait3A_325 = arith.constant 0 : i32
      %dma_wait3A_326 = tpu.memref_slice %arg9[%dma_wait3A_324, %dma_wait3A_325] : memref<2x128xi32, #tpu.memory_space<vmem>> -> memref<1x128xi32, #tpu.memory_space<vmem>>
      %dma_wait3A_327 = tpu.memref_squeeze %dma_wait3A_326 : memref<1x128xi32, #tpu.memory_space<vmem>> -> memref<128xi32, #tpu.memory_space<vmem>>
      %dma_wait3A_328 = arith.constant 0 : i32
      %dma_wait3A_329 = arith.constant 0 : i32
      %dma_wait3A_330 = tpu.memref_slice %arg8[%dma_wait3A_328, %dma_wait3A_329] : memref<10240x32xf32, #tpu.memory_space<vmem_shared>> -> memref<10240x32xf32, #tpu.memory_space<vmem_shared>>
      tpu.wait_indirect_dma semaphore(%arg37 : memref<!tpu.dma_semaphore, #tpu.memory_space<semaphore_mem>>) src(%dma_wait3A_330 : memref<10240x32xf32, #tpu.memory_space<vmem_shared>>) dst(%arg17 : memref<128x32xf32, #tpu.memory_space<vmem>>)
      %dma_start3A_331 = arith.constant 1 : i32
      %dma_start3A_332 = arith.constant 0 : i32
      %dma_start3A_333 = tpu.memref_slice %arg9[%dma_start3A_331, %dma_start3A_332] : memref<2x128xi32, #tpu.memory_space<vmem>> -> memref<1x128xi32, #tpu.memory_space<vmem>>
      %dma_start3A_334 = tpu.memref_squeeze %dma_start3A_333 : memref<1x128xi32, #tpu.memory_space<vmem>> -> memref<128xi32, #tpu.memory_space<vmem>>
      %dma_start3A_335 = arith.constant 0 : i32
      %dma_start3A_336 = arith.constant 0 : i32
      %dma_start3A_337 = tpu.memref_slice %arg7[%dma_start3A_335, %dma_start3A_336] : memref<10240x32xf32, #tpu.memory_space<vmem_shared>> -> memref<10240x32xf32, #tpu.memory_space<vmem_shared>>
      tpu.enqueue_indirect_dma source(%arg17 : memref<128x32xf32, #tpu.memory_space<vmem>>) target(%dma_start3A_337 : memref<10240x32xf32, #tpu.memory_space<vmem_shared>>) offsets(%dma_start3A_334 : memref<128xi32, #tpu.memory_space<vmem>>) semaphore(%arg45 : memref<!tpu.dma_semaphore, #tpu.memory_space<semaphore_mem>>) {add = true}
      %dma_wait3A_338 = arith.constant 0 : i32
      %dma_wait3A_339 = arith.constant 0 : i32
      %dma_wait3A_340 = tpu.memref_slice %arg10[%dma_wait3A_338, %dma_wait3A_339] : memref<2x128xi32, #tpu.memory_space<vmem>> -> memref<1x128xi32, #tpu.memory_space<vmem>>
      %dma_wait3A_341 = tpu.memref_squeeze %dma_wait3A_340 : memref<1x128xi32, #tpu.memory_space<vmem>> -> memref<128xi32, #tpu.memory_space<vmem>>
      %dma_wait3A_342 = arith.constant 0 : i32
      %dma_wait3A_343 = arith.constant 0 : i32
      %dma_wait3A_344 = tpu.memref_slice %arg8[%dma_wait3A_342, %dma_wait3A_343] : memref<10240x32xf32, #tpu.memory_space<vmem_shared>> -> memref<10240x32xf32, #tpu.memory_space<vmem_shared>>
      tpu.wait_indirect_dma semaphore(%arg38 : memref<!tpu.dma_semaphore, #tpu.memory_space<semaphore_mem>>) src(%dma_wait3A_344 : memref<10240x32xf32, #tpu.memory_space<vmem_shared>>) dst(%arg18 : memref<128x32xf32, #tpu.memory_space<vmem>>)
      %dma_start3A_345 = arith.constant 1 : i32
      %dma_start3A_346 = arith.constant 0 : i32
      %dma_start3A_347 = tpu.memref_slice %arg10[%dma_start3A_345, %dma_start3A_346] : memref<2x128xi32, #tpu.memory_space<vmem>> -> memref<1x128xi32, #tpu.memory_space<vmem>>
      %dma_start3A_348 = tpu.memref_squeeze %dma_start3A_347 : memref<1x128xi32, #tpu.memory_space<vmem>> -> memref<128xi32, #tpu.memory_space<vmem>>
      %dma_start3A_349 = arith.constant 0 : i32
      %dma_start3A_350 = arith.constant 0 : i32
      %dma_start3A_351 = tpu.memref_slice %arg7[%dma_start3A_349, %dma_start3A_350] : memref<10240x32xf32, #tpu.memory_space<vmem_shared>> -> memref<10240x32xf32, #tpu.memory_space<vmem_shared>>
      tpu.enqueue_indirect_dma source(%arg18 : memref<128x32xf32, #tpu.memory_space<vmem>>) target(%dma_start3A_351 : memref<10240x32xf32, #tpu.memory_space<vmem_shared>>) offsets(%dma_start3A_348 : memref<128xi32, #tpu.memory_space<vmem>>) semaphore(%arg46 : memref<!tpu.dma_semaphore, #tpu.memory_space<semaphore_mem>>) {add = true}
      %dma_wait3A_352 = arith.constant 0 : i32
      %dma_wait3A_353 = arith.constant 0 : i32
      %dma_wait3A_354 = tpu.memref_slice %arg11[%dma_wait3A_352, %dma_wait3A_353] : memref<2x128xi32, #tpu.memory_space<vmem>> -> memref<1x128xi32, #tpu.memory_space<vmem>>
      %dma_wait3A_355 = tpu.memref_squeeze %dma_wait3A_354 : memref<1x128xi32, #tpu.memory_space<vmem>> -> memref<128xi32, #tpu.memory_space<vmem>>
      %dma_wait3A_356 = arith.constant 0 : i32
      %dma_wait3A_357 = arith.constant 0 : i32
      %dma_wait3A_358 = tpu.memref_slice %arg8[%dma_wait3A_356, %dma_wait3A_357] : memref<10240x32xf32, #tpu.memory_space<vmem_shared>> -> memref<10240x32xf32, #tpu.memory_space<vmem_shared>>
      tpu.wait_indirect_dma semaphore(%arg39 : memref<!tpu.dma_semaphore, #tpu.memory_space<semaphore_mem>>) src(%dma_wait3A_358 : memref<10240x32xf32, #tpu.memory_space<vmem_shared>>) dst(%arg19 : memref<128x32xf32, #tpu.memory_space<vmem>>)
      %dma_start3A_359 = arith.constant 1 : i32
      %dma_start3A_360 = arith.constant 0 : i32
      %dma_start3A_361 = tpu.memref_slice %arg11[%dma_start3A_359, %dma_start3A_360] : memref<2x128xi32, #tpu.memory_space<vmem>> -> memref<1x128xi32, #tpu.memory_space<vmem>>
      %dma_start3A_362 = tpu.memref_squeeze %dma_start3A_361 : memref<1x128xi32, #tpu.memory_space<vmem>> -> memref<128xi32, #tpu.memory_space<vmem>>
      %dma_start3A_363 = arith.constant 0 : i32
      %dma_start3A_364 = arith.constant 0 : i32
      %dma_start3A_365 = tpu.memref_slice %arg7[%dma_start3A_363, %dma_start3A_364] : memref<10240x32xf32, #tpu.memory_space<vmem_shared>> -> memref<10240x32xf32, #tpu.memory_space<vmem_shared>>
      tpu.enqueue_indirect_dma source(%arg19 : memref<128x32xf32, #tpu.memory_space<vmem>>) target(%dma_start3A_365 : memref<10240x32xf32, #tpu.memory_space<vmem_shared>>) offsets(%dma_start3A_362 : memref<128xi32, #tpu.memory_space<vmem>>) semaphore(%arg47 : memref<!tpu.dma_semaphore, #tpu.memory_space<semaphore_mem>>) {add = true}
      %dma_wait3A_366 = arith.constant 0 : i32
      %dma_wait3A_367 = arith.constant 0 : i32
      %dma_wait3A_368 = tpu.memref_slice %arg12[%dma_wait3A_366, %dma_wait3A_367] : memref<2x128xi32, #tpu.memory_space<vmem>> -> memref<1x128xi32, #tpu.memory_space<vmem>>
      %dma_wait3A_369 = tpu.memref_squeeze %dma_wait3A_368 : memref<1x128xi32, #tpu.memory_space<vmem>> -> memref<128xi32, #tpu.memory_space<vmem>>
      %dma_wait3A_370 = arith.constant 0 : i32
      %dma_wait3A_371 = arith.constant 0 : i32
      %dma_wait3A_372 = tpu.memref_slice %arg8[%dma_wait3A_370, %dma_wait3A_371] : memref<10240x32xf32, #tpu.memory_space<vmem_shared>> -> memref<10240x32xf32, #tpu.memory_space<vmem_shared>>
      tpu.wait_indirect_dma semaphore(%arg40 : memref<!tpu.dma_semaphore, #tpu.memory_space<semaphore_mem>>) src(%dma_wait3A_372 : memref<10240x32xf32, #tpu.memory_space<vmem_shared>>) dst(%arg20 : memref<128x32xf32, #tpu.memory_space<vmem>>)
      %dma_start3A_373 = arith.constant 1 : i32
      %dma_start3A_374 = arith.constant 0 : i32
      %dma_start3A_375 = tpu.memref_slice %arg12[%dma_start3A_373, %dma_start3A_374] : memref<2x128xi32, #tpu.memory_space<vmem>> -> memref<1x128xi32, #tpu.memory_space<vmem>>
      %dma_start3A_376 = tpu.memref_squeeze %dma_start3A_375 : memref<1x128xi32, #tpu.memory_space<vmem>> -> memref<128xi32, #tpu.memory_space<vmem>>
      %dma_start3A_377 = arith.constant 0 : i32
      %dma_start3A_378 = arith.constant 0 : i32
      %dma_start3A_379 = tpu.memref_slice %arg7[%dma_start3A_377, %dma_start3A_378] : memref<10240x32xf32, #tpu.memory_space<vmem_shared>> -> memref<10240x32xf32, #tpu.memory_space<vmem_shared>>
      tpu.enqueue_indirect_dma source(%arg20 : memref<128x32xf32, #tpu.memory_space<vmem>>) target(%dma_start3A_379 : memref<10240x32xf32, #tpu.memory_space<vmem_shared>>) offsets(%dma_start3A_376 : memref<128xi32, #tpu.memory_space<vmem>>) semaphore(%arg48 : memref<!tpu.dma_semaphore, #tpu.memory_space<semaphore_mem>>) {add = true}
      %dma_wait3A_380 = arith.constant 0 : i32
      %dma_wait3A_381 = arith.constant 0 : i32
      %dma_wait3A_382 = tpu.memref_slice %arg13[%dma_wait3A_380, %dma_wait3A_381] : memref<2x128xi32, #tpu.memory_space<vmem>> -> memref<1x128xi32, #tpu.memory_space<vmem>>
      %dma_wait3A_383 = tpu.memref_squeeze %dma_wait3A_382 : memref<1x128xi32, #tpu.memory_space<vmem>> -> memref<128xi32, #tpu.memory_space<vmem>>
      %dma_wait3A_384 = arith.constant 0 : i32
      %dma_wait3A_385 = arith.constant 0 : i32
      %dma_wait3A_386 = tpu.memref_slice %arg8[%dma_wait3A_384, %dma_wait3A_385] : memref<10240x32xf32, #tpu.memory_space<vmem_shared>> -> memref<10240x32xf32, #tpu.memory_space<vmem_shared>>
      tpu.wait_indirect_dma semaphore(%arg41 : memref<!tpu.dma_semaphore, #tpu.memory_space<semaphore_mem>>) src(%dma_wait3A_386 : memref<10240x32xf32, #tpu.memory_space<vmem_shared>>) dst(%arg21 : memref<128x32xf32, #tpu.memory_space<vmem>>)
      %dma_start3A_387 = arith.constant 1 : i32
      %dma_start3A_388 = arith.constant 0 : i32
      %dma_start3A_389 = tpu.memref_slice %arg13[%dma_start3A_387, %dma_start3A_388] : memref<2x128xi32, #tpu.memory_space<vmem>> -> memref<1x128xi32, #tpu.memory_space<vmem>>
      %dma_start3A_390 = tpu.memref_squeeze %dma_start3A_389 : memref<1x128xi32, #tpu.memory_space<vmem>> -> memref<128xi32, #tpu.memory_space<vmem>>
      %dma_start3A_391 = arith.constant 0 : i32
      %dma_start3A_392 = arith.constant 0 : i32
      %dma_start3A_393 = tpu.memref_slice %arg7[%dma_start3A_391, %dma_start3A_392] : memref<10240x32xf32, #tpu.memory_space<vmem_shared>> -> memref<10240x32xf32, #tpu.memory_space<vmem_shared>>
      tpu.enqueue_indirect_dma source(%arg21 : memref<128x32xf32, #tpu.memory_space<vmem>>) target(%dma_start3A_393 : memref<10240x32xf32, #tpu.memory_space<vmem_shared>>) offsets(%dma_start3A_390 : memref<128xi32, #tpu.memory_space<vmem>>) semaphore(%arg49 : memref<!tpu.dma_semaphore, #tpu.memory_space<semaphore_mem>>) {add = true}
      %dma_wait3A_394 = arith.constant 0 : i32
      %dma_wait3A_395 = arith.constant 0 : i32
      %dma_wait3A_396 = tpu.memref_slice %arg14[%dma_wait3A_394, %dma_wait3A_395] : memref<2x128xi32, #tpu.memory_space<vmem>> -> memref<1x128xi32, #tpu.memory_space<vmem>>
      %dma_wait3A_397 = tpu.memref_squeeze %dma_wait3A_396 : memref<1x128xi32, #tpu.memory_space<vmem>> -> memref<128xi32, #tpu.memory_space<vmem>>
      %dma_wait3A_398 = arith.constant 0 : i32
      %dma_wait3A_399 = arith.constant 0 : i32
      %dma_wait3A_400 = tpu.memref_slice %arg8[%dma_wait3A_398, %dma_wait3A_399] : memref<10240x32xf32, #tpu.memory_space<vmem_shared>> -> memref<10240x32xf32, #tpu.memory_space<vmem_shared>>
      tpu.wait_indirect_dma semaphore(%arg42 : memref<!tpu.dma_semaphore, #tpu.memory_space<semaphore_mem>>) src(%dma_wait3A_400 : memref<10240x32xf32, #tpu.memory_space<vmem_shared>>) dst(%arg22 : memref<128x32xf32, #tpu.memory_space<vmem>>)
      %dma_start3A_401 = arith.constant 1 : i32
      %dma_start3A_402 = arith.constant 0 : i32
      %dma_start3A_403 = tpu.memref_slice %arg14[%dma_start3A_401, %dma_start3A_402] : memref<2x128xi32, #tpu.memory_space<vmem>> -> memref<1x128xi32, #tpu.memory_space<vmem>>
      %dma_start3A_404 = tpu.memref_squeeze %dma_start3A_403 : memref<1x128xi32, #tpu.memory_space<vmem>> -> memref<128xi32, #tpu.memory_space<vmem>>
      %dma_start3A_405 = arith.constant 0 : i32
      %dma_start3A_406 = arith.constant 0 : i32
      %dma_start3A_407 = tpu.memref_slice %arg7[%dma_start3A_405, %dma_start3A_406] : memref<10240x32xf32, #tpu.memory_space<vmem_shared>> -> memref<10240x32xf32, #tpu.memory_space<vmem_shared>>
      tpu.enqueue_indirect_dma source(%arg22 : memref<128x32xf32, #tpu.memory_space<vmem>>) target(%dma_start3A_407 : memref<10240x32xf32, #tpu.memory_space<vmem_shared>>) offsets(%dma_start3A_404 : memref<128xi32, #tpu.memory_space<vmem>>) semaphore(%arg50 : memref<!tpu.dma_semaphore, #tpu.memory_space<semaphore_mem>>) {add = true}
      %dma_wait3A_408 = arith.constant 0 : i32
      %dma_wait3A_409 = arith.constant 0 : i32
      %dma_wait3A_410 = tpu.memref_slice %arg15[%dma_wait3A_408, %dma_wait3A_409] : memref<2x128xi32, #tpu.memory_space<vmem>> -> memref<1x128xi32, #tpu.memory_space<vmem>>
      %dma_wait3A_411 = tpu.memref_squeeze %dma_wait3A_410 : memref<1x128xi32, #tpu.memory_space<vmem>> -> memref<128xi32, #tpu.memory_space<vmem>>
      %dma_wait3A_412 = arith.constant 0 : i32
      %dma_wait3A_413 = arith.constant 0 : i32
      %dma_wait3A_414 = tpu.memref_slice %arg8[%dma_wait3A_412, %dma_wait3A_413] : memref<10240x32xf32, #tpu.memory_space<vmem_shared>> -> memref<10240x32xf32, #tpu.memory_space<vmem_shared>>
      tpu.wait_indirect_dma semaphore(%arg43 : memref<!tpu.dma_semaphore, #tpu.memory_space<semaphore_mem>>) src(%dma_wait3A_414 : memref<10240x32xf32, #tpu.memory_space<vmem_shared>>) dst(%arg23 : memref<128x32xf32, #tpu.memory_space<vmem>>)
      %dma_start3A_415 = arith.constant 1 : i32
      %dma_start3A_416 = arith.constant 0 : i32
      %dma_start3A_417 = tpu.memref_slice %arg15[%dma_start3A_415, %dma_start3A_416] : memref<2x128xi32, #tpu.memory_space<vmem>> -> memref<1x128xi32, #tpu.memory_space<vmem>>
      %dma_start3A_418 = tpu.memref_squeeze %dma_start3A_417 : memref<1x128xi32, #tpu.memory_space<vmem>> -> memref<128xi32, #tpu.memory_space<vmem>>
      %dma_start3A_419 = arith.constant 0 : i32
      %dma_start3A_420 = arith.constant 0 : i32
      %dma_start3A_421 = tpu.memref_slice %arg7[%dma_start3A_419, %dma_start3A_420] : memref<10240x32xf32, #tpu.memory_space<vmem_shared>> -> memref<10240x32xf32, #tpu.memory_space<vmem_shared>>
      tpu.enqueue_indirect_dma source(%arg23 : memref<128x32xf32, #tpu.memory_space<vmem>>) target(%dma_start3A_421 : memref<10240x32xf32, #tpu.memory_space<vmem_shared>>) offsets(%dma_start3A_418 : memref<128xi32, #tpu.memory_space<vmem>>) semaphore(%arg51 : memref<!tpu.dma_semaphore, #tpu.memory_space<semaphore_mem>>) {add = true}
      %dma_wait3A_422 = arith.constant 0 : i32
      %dma_wait3A_423 = arith.constant 0 : i32
      %dma_wait3A_424 = tpu.memref_slice %arg16[%dma_wait3A_422, %dma_wait3A_423] : memref<2x128xi32, #tpu.memory_space<vmem>> -> memref<1x128xi32, #tpu.memory_space<vmem>>
      %dma_wait3A_425 = tpu.memref_squeeze %dma_wait3A_424 : memref<1x128xi32, #tpu.memory_space<vmem>> -> memref<128xi32, #tpu.memory_space<vmem>>
      %dma_wait3A_426 = arith.constant 0 : i32
      %dma_wait3A_427 = arith.constant 0 : i32
      %dma_wait3A_428 = tpu.memref_slice %arg8[%dma_wait3A_426, %dma_wait3A_427] : memref<10240x32xf32, #tpu.memory_space<vmem_shared>> -> memref<10240x32xf32, #tpu.memory_space<vmem_shared>>
      tpu.wait_indirect_dma semaphore(%arg44 : memref<!tpu.dma_semaphore, #tpu.memory_space<semaphore_mem>>) src(%dma_wait3A_428 : memref<10240x32xf32, #tpu.memory_space<vmem_shared>>) dst(%arg24 : memref<128x32xf32, #tpu.memory_space<vmem>>)
      %dma_start3A_429 = arith.constant 1 : i32
      %dma_start3A_430 = arith.constant 0 : i32
      %dma_start3A_431 = tpu.memref_slice %arg16[%dma_start3A_429, %dma_start3A_430] : memref<2x128xi32, #tpu.memory_space<vmem>> -> memref<1x128xi32, #tpu.memory_space<vmem>>
      %dma_start3A_432 = tpu.memref_squeeze %dma_start3A_431 : memref<1x128xi32, #tpu.memory_space<vmem>> -> memref<128xi32, #tpu.memory_space<vmem>>
      %dma_start3A_433 = arith.constant 0 : i32
      %dma_start3A_434 = arith.constant 0 : i32
      %dma_start3A_435 = tpu.memref_slice %arg7[%dma_start3A_433, %dma_start3A_434] : memref<10240x32xf32, #tpu.memory_space<vmem_shared>> -> memref<10240x32xf32, #tpu.memory_space<vmem_shared>>
      tpu.enqueue_indirect_dma source(%arg24 : memref<128x32xf32, #tpu.memory_space<vmem>>) target(%dma_start3A_435 : memref<10240x32xf32, #tpu.memory_space<vmem_shared>>) offsets(%dma_start3A_432 : memref<128xi32, #tpu.memory_space<vmem>>) semaphore(%arg52 : memref<!tpu.dma_semaphore, #tpu.memory_space<semaphore_mem>>) {add = true}
      %dma_wait3A_436 = arith.constant 1 : i32
      %dma_wait3A_437 = arith.constant 0 : i32
      %dma_wait3A_438 = tpu.memref_slice %arg9[%dma_wait3A_436, %dma_wait3A_437] : memref<2x128xi32, #tpu.memory_space<vmem>> -> memref<1x128xi32, #tpu.memory_space<vmem>>
      %dma_wait3A_439 = tpu.memref_squeeze %dma_wait3A_438 : memref<1x128xi32, #tpu.memory_space<vmem>> -> memref<128xi32, #tpu.memory_space<vmem>>
      %dma_wait3A_440 = arith.constant 0 : i32
      %dma_wait3A_441 = arith.constant 0 : i32
      %dma_wait3A_442 = tpu.memref_slice %arg7[%dma_wait3A_440, %dma_wait3A_441] : memref<10240x32xf32, #tpu.memory_space<vmem_shared>> -> memref<10240x32xf32, #tpu.memory_space<vmem_shared>>
      tpu.wait_indirect_dma semaphore(%arg45 : memref<!tpu.dma_semaphore, #tpu.memory_space<semaphore_mem>>) src(%arg17 : memref<128x32xf32, #tpu.memory_space<vmem>>) dst(%dma_wait3A_442 : memref<10240x32xf32, #tpu.memory_space<vmem_shared>>)
      %dma_wait3A_443 = arith.constant 1 : i32
      %dma_wait3A_444 = arith.constant 0 : i32
      %dma_wait3A_445 = tpu.memref_slice %arg10[%dma_wait3A_443, %dma_wait3A_444] : memref<2x128xi32, #tpu.memory_space<vmem>> -> memref<1x128xi32, #tpu.memory_space<vmem>>
      %dma_wait3A_446 = tpu.memref_squeeze %dma_wait3A_445 : memref<1x128xi32, #tpu.memory_space<vmem>> -> memref<128xi32, #tpu.memory_space<vmem>>
      %dma_wait3A_447 = arith.constant 0 : i32
      %dma_wait3A_448 = arith.constant 0 : i32
      %dma_wait3A_449 = tpu.memref_slice %arg7[%dma_wait3A_447, %dma_wait3A_448] : memref<10240x32xf32, #tpu.memory_space<vmem_shared>> -> memref<10240x32xf32, #tpu.memory_space<vmem_shared>>
      tpu.wait_indirect_dma semaphore(%arg46 : memref<!tpu.dma_semaphore, #tpu.memory_space<semaphore_mem>>) src(%arg18 : memref<128x32xf32, #tpu.memory_space<vmem>>) dst(%dma_wait3A_449 : memref<10240x32xf32, #tpu.memory_space<vmem_shared>>)
      %dma_wait3A_450 = arith.constant 1 : i32
      %dma_wait3A_451 = arith.constant 0 : i32
      %dma_wait3A_452 = tpu.memref_slice %arg11[%dma_wait3A_450, %dma_wait3A_451] : memref<2x128xi32, #tpu.memory_space<vmem>> -> memref<1x128xi32, #tpu.memory_space<vmem>>
      %dma_wait3A_453 = tpu.memref_squeeze %dma_wait3A_452 : memref<1x128xi32, #tpu.memory_space<vmem>> -> memref<128xi32, #tpu.memory_space<vmem>>
      %dma_wait3A_454 = arith.constant 0 : i32
      %dma_wait3A_455 = arith.constant 0 : i32
      %dma_wait3A_456 = tpu.memref_slice %arg7[%dma_wait3A_454, %dma_wait3A_455] : memref<10240x32xf32, #tpu.memory_space<vmem_shared>> -> memref<10240x32xf32, #tpu.memory_space<vmem_shared>>
      tpu.wait_indirect_dma semaphore(%arg47 : memref<!tpu.dma_semaphore, #tpu.memory_space<semaphore_mem>>) src(%arg19 : memref<128x32xf32, #tpu.memory_space<vmem>>) dst(%dma_wait3A_456 : memref<10240x32xf32, #tpu.memory_space<vmem_shared>>)
      %dma_wait3A_457 = arith.constant 1 : i32
      %dma_wait3A_458 = arith.constant 0 : i32
      %dma_wait3A_459 = tpu.memref_slice %arg12[%dma_wait3A_457, %dma_wait3A_458] : memref<2x128xi32, #tpu.memory_space<vmem>> -> memref<1x128xi32, #tpu.memory_space<vmem>>
      %dma_wait3A_460 = tpu.memref_squeeze %dma_wait3A_459 : memref<1x128xi32, #tpu.memory_space<vmem>> -> memref<128xi32, #tpu.memory_space<vmem>>
      %dma_wait3A_461 = arith.constant 0 : i32
      %dma_wait3A_462 = arith.constant 0 : i32
      %dma_wait3A_463 = tpu.memref_slice %arg7[%dma_wait3A_461, %dma_wait3A_462] : memref<10240x32xf32, #tpu.memory_space<vmem_shared>> -> memref<10240x32xf32, #tpu.memory_space<vmem_shared>>
      tpu.wait_indirect_dma semaphore(%arg48 : memref<!tpu.dma_semaphore, #tpu.memory_space<semaphore_mem>>) src(%arg20 : memref<128x32xf32, #tpu.memory_space<vmem>>) dst(%dma_wait3A_463 : memref<10240x32xf32, #tpu.memory_space<vmem_shared>>)
      %dma_wait3A_464 = arith.constant 1 : i32
      %dma_wait3A_465 = arith.constant 0 : i32
      %dma_wait3A_466 = tpu.memref_slice %arg13[%dma_wait3A_464, %dma_wait3A_465] : memref<2x128xi32, #tpu.memory_space<vmem>> -> memref<1x128xi32, #tpu.memory_space<vmem>>
      %dma_wait3A_467 = tpu.memref_squeeze %dma_wait3A_466 : memref<1x128xi32, #tpu.memory_space<vmem>> -> memref<128xi32, #tpu.memory_space<vmem>>
      %dma_wait3A_468 = arith.constant 0 : i32
      %dma_wait3A_469 = arith.constant 0 : i32
      %dma_wait3A_470 = tpu.memref_slice %arg7[%dma_wait3A_468, %dma_wait3A_469] : memref<10240x32xf32, #tpu.memory_space<vmem_shared>> -> memref<10240x32xf32, #tpu.memory_space<vmem_shared>>
      tpu.wait_indirect_dma semaphore(%arg49 : memref<!tpu.dma_semaphore, #tpu.memory_space<semaphore_mem>>) src(%arg21 : memref<128x32xf32, #tpu.memory_space<vmem>>) dst(%dma_wait3A_470 : memref<10240x32xf32, #tpu.memory_space<vmem_shared>>)
      %dma_wait3A_471 = arith.constant 1 : i32
      %dma_wait3A_472 = arith.constant 0 : i32
      %dma_wait3A_473 = tpu.memref_slice %arg14[%dma_wait3A_471, %dma_wait3A_472] : memref<2x128xi32, #tpu.memory_space<vmem>> -> memref<1x128xi32, #tpu.memory_space<vmem>>
      %dma_wait3A_474 = tpu.memref_squeeze %dma_wait3A_473 : memref<1x128xi32, #tpu.memory_space<vmem>> -> memref<128xi32, #tpu.memory_space<vmem>>
      %dma_wait3A_475 = arith.constant 0 : i32
      %dma_wait3A_476 = arith.constant 0 : i32
      %dma_wait3A_477 = tpu.memref_slice %arg7[%dma_wait3A_475, %dma_wait3A_476] : memref<10240x32xf32, #tpu.memory_space<vmem_shared>> -> memref<10240x32xf32, #tpu.memory_space<vmem_shared>>
      tpu.wait_indirect_dma semaphore(%arg50 : memref<!tpu.dma_semaphore, #tpu.memory_space<semaphore_mem>>) src(%arg22 : memref<128x32xf32, #tpu.memory_space<vmem>>) dst(%dma_wait3A_477 : memref<10240x32xf32, #tpu.memory_space<vmem_shared>>)
      %dma_wait3A_478 = arith.constant 1 : i32
      %dma_wait3A_479 = arith.constant 0 : i32
      %dma_wait3A_480 = tpu.memref_slice %arg15[%dma_wait3A_478, %dma_wait3A_479] : memref<2x128xi32, #tpu.memory_space<vmem>> -> memref<1x128xi32, #tpu.memory_space<vmem>>
      %dma_wait3A_481 = tpu.memref_squeeze %dma_wait3A_480 : memref<1x128xi32, #tpu.memory_space<vmem>> -> memref<128xi32, #tpu.memory_space<vmem>>
      %dma_wait3A_482 = arith.constant 0 : i32
      %dma_wait3A_483 = arith.constant 0 : i32
      %dma_wait3A_484 = tpu.memref_slice %arg7[%dma_wait3A_482, %dma_wait3A_483] : memref<10240x32xf32, #tpu.memory_space<vmem_shared>> -> memref<10240x32xf32, #tpu.memory_space<vmem_shared>>
      tpu.wait_indirect_dma semaphore(%arg51 : memref<!tpu.dma_semaphore, #tpu.memory_space<semaphore_mem>>) src(%arg23 : memref<128x32xf32, #tpu.memory_space<vmem>>) dst(%dma_wait3A_484 : memref<10240x32xf32, #tpu.memory_space<vmem_shared>>)
      %dma_wait3A_485 = arith.constant 1 : i32
      %dma_wait3A_486 = arith.constant 0 : i32
      %dma_wait3A_487 = tpu.memref_slice %arg16[%dma_wait3A_485, %dma_wait3A_486] : memref<2x128xi32, #tpu.memory_space<vmem>> -> memref<1x128xi32, #tpu.memory_space<vmem>>
      %dma_wait3A_488 = tpu.memref_squeeze %dma_wait3A_487 : memref<1x128xi32, #tpu.memory_space<vmem>> -> memref<128xi32, #tpu.memory_space<vmem>>
      %dma_wait3A_489 = arith.constant 0 : i32
      %dma_wait3A_490 = arith.constant 0 : i32
      %dma_wait3A_491 = tpu.memref_slice %arg7[%dma_wait3A_489, %dma_wait3A_490] : memref<10240x32xf32, #tpu.memory_space<vmem_shared>> -> memref<10240x32xf32, #tpu.memory_space<vmem_shared>>
      tpu.wait_indirect_dma semaphore(%arg52 : memref<!tpu.dma_semaphore, #tpu.memory_space<semaphore_mem>>) src(%arg24 : memref<128x32xf32, #tpu.memory_space<vmem>>) dst(%dma_wait3A_491 : memref<10240x32xf32, #tpu.memory_space<vmem_shared>>)
      %lt3A = arith.constant 19 : i32
      %lt3A_492 = arith.cmpi slt, %scan3A_195, %lt3A : i32
      %convert_element_type3A = arith.extui %lt3A_492 : i1 to i32
      %cond3A = arith.constant 0 : i32
      %cond3A_493 = arith.cmpi ne, %convert_element_type3A, %cond3A : i32
      scf.if %cond3A_493 {
        %add3A = arith.constant 1 : i32
        %add3A_494 = arith.addi %scan3A_195, %add3A : i32
        %mul3A_495 = arith.constant 8 : i32
        %mul3A_496 = arith.muli %add3A_494, %mul3A_495 : i32
        %add3A_497 = arith.constant 0 : i32
        %add3A_498 = arith.addi %mul3A_496, %add3A_497 : i32
        %dma_start3A_499 = arith.constant 0 : i32
        %dma_start3A_500 = arith.constant 0 : i32
        %dma_start3A_501 = tpu.memref_slice %arg5[%arg1, %add3A_498, %dma_start3A_499, %dma_start3A_500] : memref<16x160x2x128xi32, #tpu.memory_space<hbm>> -> memref<1x1x2x128xi32, #tpu.memory_space<hbm>>
        %dma_start3A_502 = tpu.memref_squeeze %dma_start3A_501 : memref<1x1x2x128xi32, #tpu.memory_space<hbm>> -> memref<2x128xi32, #tpu.memory_space<hbm>>
        %dma_start3A_503 = arith.constant 0 : i32
        %dma_start3A_504 = arith.constant 0 : i32
        %dma_start3A_505 = tpu.memref_slice %arg5[%arg1, %add3A_498, %dma_start3A_503, %dma_start3A_504] : memref<16x160x2x128xi32, #tpu.memory_space<hbm>> -> memref<1x1x2x128xi32, #tpu.memory_space<hbm>>
        %dma_start3A_506 = tpu.memref_squeeze %dma_start3A_505 : memref<1x1x2x128xi32, #tpu.memory_space<hbm>> -> memref<2x128xi32, #tpu.memory_space<hbm>>
        tpu.enqueue_dma source(%dma_start3A_506 : memref<2x128xi32, #tpu.memory_space<hbm>>) target(%arg9 : memref<2x128xi32, #tpu.memory_space<vmem>>) target_semaphore(%arg29 : memref<!tpu.dma_semaphore, #tpu.memory_space<semaphore_mem>>)
        %add3A_507 = arith.constant 1 : i32
        %add3A_508 = arith.addi %scan3A_195, %add3A_507 : i32
        %mul3A_509 = arith.constant 8 : i32
        %mul3A_510 = arith.muli %add3A_508, %mul3A_509 : i32
        %add3A_511 = arith.constant 1 : i32
        %add3A_512 = arith.addi %mul3A_510, %add3A_511 : i32
        %dma_start3A_513 = arith.constant 0 : i32
        %dma_start3A_514 = arith.constant 0 : i32
        %dma_start3A_515 = tpu.memref_slice %arg5[%arg1, %add3A_512, %dma_start3A_513, %dma_start3A_514] : memref<16x160x2x128xi32, #tpu.memory_space<hbm>> -> memref<1x1x2x128xi32, #tpu.memory_space<hbm>>
        %dma_start3A_516 = tpu.memref_squeeze %dma_start3A_515 : memref<1x1x2x128xi32, #tpu.memory_space<hbm>> -> memref<2x128xi32, #tpu.memory_space<hbm>>
        %dma_start3A_517 = arith.constant 0 : i32
        %dma_start3A_518 = arith.constant 0 : i32
        %dma_start3A_519 = tpu.memref_slice %arg5[%arg1, %add3A_512, %dma_start3A_517, %dma_start3A_518] : memref<16x160x2x128xi32, #tpu.memory_space<hbm>> -> memref<1x1x2x128xi32, #tpu.memory_space<hbm>>
        %dma_start3A_520 = tpu.memref_squeeze %dma_start3A_519 : memref<1x1x2x128xi32, #tpu.memory_space<hbm>> -> memref<2x128xi32, #tpu.memory_space<hbm>>
        tpu.enqueue_dma source(%dma_start3A_520 : memref<2x128xi32, #tpu.memory_space<hbm>>) target(%arg10 : memref<2x128xi32, #tpu.memory_space<vmem>>) target_semaphore(%arg30 : memref<!tpu.dma_semaphore, #tpu.memory_space<semaphore_mem>>)
        %add3A_521 = arith.constant 1 : i32
        %add3A_522 = arith.addi %scan3A_195, %add3A_521 : i32
        %mul3A_523 = arith.constant 8 : i32
        %mul3A_524 = arith.muli %add3A_522, %mul3A_523 : i32
        %add3A_525 = arith.constant 2 : i32
        %add3A_526 = arith.addi %mul3A_524, %add3A_525 : i32
        %dma_start3A_527 = arith.constant 0 : i32
        %dma_start3A_528 = arith.constant 0 : i32
        %dma_start3A_529 = tpu.memref_slice %arg5[%arg1, %add3A_526, %dma_start3A_527, %dma_start3A_528] : memref<16x160x2x128xi32, #tpu.memory_space<hbm>> -> memref<1x1x2x128xi32, #tpu.memory_space<hbm>>
        %dma_start3A_530 = tpu.memref_squeeze %dma_start3A_529 : memref<1x1x2x128xi32, #tpu.memory_space<hbm>> -> memref<2x128xi32, #tpu.memory_space<hbm>>
        %dma_start3A_531 = arith.constant 0 : i32
        %dma_start3A_532 = arith.constant 0 : i32
        %dma_start3A_533 = tpu.memref_slice %arg5[%arg1, %add3A_526, %dma_start3A_531, %dma_start3A_532] : memref<16x160x2x128xi32, #tpu.memory_space<hbm>> -> memref<1x1x2x128xi32, #tpu.memory_space<hbm>>
        %dma_start3A_534 = tpu.memref_squeeze %dma_start3A_533 : memref<1x1x2x128xi32, #tpu.memory_space<hbm>> -> memref<2x128xi32, #tpu.memory_space<hbm>>
        tpu.enqueue_dma source(%dma_start3A_534 : memref<2x128xi32, #tpu.memory_space<hbm>>) target(%arg11 : memref<2x128xi32, #tpu.memory_space<vmem>>) target_semaphore(%arg31 : memref<!tpu.dma_semaphore, #tpu.memory_space<semaphore_mem>>)
        %add3A_535 = arith.constant 1 : i32
        %add3A_536 = arith.addi %scan3A_195, %add3A_535 : i32
        %mul3A_537 = arith.constant 8 : i32
        %mul3A_538 = arith.muli %add3A_536, %mul3A_537 : i32
        %add3A_539 = arith.constant 3 : i32
        %add3A_540 = arith.addi %mul3A_538, %add3A_539 : i32
        %dma_start3A_541 = arith.constant 0 : i32
        %dma_start3A_542 = arith.constant 0 : i32
        %dma_start3A_543 = tpu.memref_slice %arg5[%arg1, %add3A_540, %dma_start3A_541, %dma_start3A_542] : memref<16x160x2x128xi32, #tpu.memory_space<hbm>> -> memref<1x1x2x128xi32, #tpu.memory_space<hbm>>
        %dma_start3A_544 = tpu.memref_squeeze %dma_start3A_543 : memref<1x1x2x128xi32, #tpu.memory_space<hbm>> -> memref<2x128xi32, #tpu.memory_space<hbm>>
        %dma_start3A_545 = arith.constant 0 : i32
        %dma_start3A_546 = arith.constant 0 : i32
        %dma_start3A_547 = tpu.memref_slice %arg5[%arg1, %add3A_540, %dma_start3A_545, %dma_start3A_546] : memref<16x160x2x128xi32, #tpu.memory_space<hbm>> -> memref<1x1x2x128xi32, #tpu.memory_space<hbm>>
        %dma_start3A_548 = tpu.memref_squeeze %dma_start3A_547 : memref<1x1x2x128xi32, #tpu.memory_space<hbm>> -> memref<2x128xi32, #tpu.memory_space<hbm>>
        tpu.enqueue_dma source(%dma_start3A_548 : memref<2x128xi32, #tpu.memory_space<hbm>>) target(%arg12 : memref<2x128xi32, #tpu.memory_space<vmem>>) target_semaphore(%arg32 : memref<!tpu.dma_semaphore, #tpu.memory_space<semaphore_mem>>)
        %add3A_549 = arith.constant 1 : i32
        %add3A_550 = arith.addi %scan3A_195, %add3A_549 : i32
        %mul3A_551 = arith.constant 8 : i32
        %mul3A_552 = arith.muli %add3A_550, %mul3A_551 : i32
        %add3A_553 = arith.constant 4 : i32
        %add3A_554 = arith.addi %mul3A_552, %add3A_553 : i32
        %dma_start3A_555 = arith.constant 0 : i32
        %dma_start3A_556 = arith.constant 0 : i32
        %dma_start3A_557 = tpu.memref_slice %arg5[%arg1, %add3A_554, %dma_start3A_555, %dma_start3A_556] : memref<16x160x2x128xi32, #tpu.memory_space<hbm>> -> memref<1x1x2x128xi32, #tpu.memory_space<hbm>>
        %dma_start3A_558 = tpu.memref_squeeze %dma_start3A_557 : memref<1x1x2x128xi32, #tpu.memory_space<hbm>> -> memref<2x128xi32, #tpu.memory_space<hbm>>
        %dma_start3A_559 = arith.constant 0 : i32
        %dma_start3A_560 = arith.constant 0 : i32
        %dma_start3A_561 = tpu.memref_slice %arg5[%arg1, %add3A_554, %dma_start3A_559, %dma_start3A_560] : memref<16x160x2x128xi32, #tpu.memory_space<hbm>> -> memref<1x1x2x128xi32, #tpu.memory_space<hbm>>
        %dma_start3A_562 = tpu.memref_squeeze %dma_start3A_561 : memref<1x1x2x128xi32, #tpu.memory_space<hbm>> -> memref<2x128xi32, #tpu.memory_space<hbm>>
        tpu.enqueue_dma source(%dma_start3A_562 : memref<2x128xi32, #tpu.memory_space<hbm>>) target(%arg13 : memref<2x128xi32, #tpu.memory_space<vmem>>) target_semaphore(%arg33 : memref<!tpu.dma_semaphore, #tpu.memory_space<semaphore_mem>>)
        %add3A_563 = arith.constant 1 : i32
        %add3A_564 = arith.addi %scan3A_195, %add3A_563 : i32
        %mul3A_565 = arith.constant 8 : i32
        %mul3A_566 = arith.muli %add3A_564, %mul3A_565 : i32
        %add3A_567 = arith.constant 5 : i32
        %add3A_568 = arith.addi %mul3A_566, %add3A_567 : i32
        %dma_start3A_569 = arith.constant 0 : i32
        %dma_start3A_570 = arith.constant 0 : i32
        %dma_start3A_571 = tpu.memref_slice %arg5[%arg1, %add3A_568, %dma_start3A_569, %dma_start3A_570] : memref<16x160x2x128xi32, #tpu.memory_space<hbm>> -> memref<1x1x2x128xi32, #tpu.memory_space<hbm>>
        %dma_start3A_572 = tpu.memref_squeeze %dma_start3A_571 : memref<1x1x2x128xi32, #tpu.memory_space<hbm>> -> memref<2x128xi32, #tpu.memory_space<hbm>>
        %dma_start3A_573 = arith.constant 0 : i32
        %dma_start3A_574 = arith.constant 0 : i32
        %dma_start3A_575 = tpu.memref_slice %arg5[%arg1, %add3A_568, %dma_start3A_573, %dma_start3A_574] : memref<16x160x2x128xi32, #tpu.memory_space<hbm>> -> memref<1x1x2x128xi32, #tpu.memory_space<hbm>>
        %dma_start3A_576 = tpu.memref_squeeze %dma_start3A_575 : memref<1x1x2x128xi32, #tpu.memory_space<hbm>> -> memref<2x128xi32, #tpu.memory_space<hbm>>
        tpu.enqueue_dma source(%dma_start3A_576 : memref<2x128xi32, #tpu.memory_space<hbm>>) target(%arg14 : memref<2x128xi32, #tpu.memory_space<vmem>>) target_semaphore(%arg34 : memref<!tpu.dma_semaphore, #tpu.memory_space<semaphore_mem>>)
        %add3A_577 = arith.constant 1 : i32
        %add3A_578 = arith.addi %scan3A_195, %add3A_577 : i32
        %mul3A_579 = arith.constant 8 : i32
        %mul3A_580 = arith.muli %add3A_578, %mul3A_579 : i32
        %add3A_581 = arith.constant 6 : i32
        %add3A_582 = arith.addi %mul3A_580, %add3A_581 : i32
        %dma_start3A_583 = arith.constant 0 : i32
        %dma_start3A_584 = arith.constant 0 : i32
        %dma_start3A_585 = tpu.memref_slice %arg5[%arg1, %add3A_582, %dma_start3A_583, %dma_start3A_584] : memref<16x160x2x128xi32, #tpu.memory_space<hbm>> -> memref<1x1x2x128xi32, #tpu.memory_space<hbm>>
        %dma_start3A_586 = tpu.memref_squeeze %dma_start3A_585 : memref<1x1x2x128xi32, #tpu.memory_space<hbm>> -> memref<2x128xi32, #tpu.memory_space<hbm>>
        %dma_start3A_587 = arith.constant 0 : i32
        %dma_start3A_588 = arith.constant 0 : i32
        %dma_start3A_589 = tpu.memref_slice %arg5[%arg1, %add3A_582, %dma_start3A_587, %dma_start3A_588] : memref<16x160x2x128xi32, #tpu.memory_space<hbm>> -> memref<1x1x2x128xi32, #tpu.memory_space<hbm>>
        %dma_start3A_590 = tpu.memref_squeeze %dma_start3A_589 : memref<1x1x2x128xi32, #tpu.memory_space<hbm>> -> memref<2x128xi32, #tpu.memory_space<hbm>>
        tpu.enqueue_dma source(%dma_start3A_590 : memref<2x128xi32, #tpu.memory_space<hbm>>) target(%arg15 : memref<2x128xi32, #tpu.memory_space<vmem>>) target_semaphore(%arg35 : memref<!tpu.dma_semaphore, #tpu.memory_space<semaphore_mem>>)
        %add3A_591 = arith.constant 1 : i32
        %add3A_592 = arith.addi %scan3A_195, %add3A_591 : i32
        %mul3A_593 = arith.constant 8 : i32
        %mul3A_594 = arith.muli %add3A_592, %mul3A_593 : i32
        %add3A_595 = arith.constant 7 : i32
        %add3A_596 = arith.addi %mul3A_594, %add3A_595 : i32
        %dma_start3A_597 = arith.constant 0 : i32
        %dma_start3A_598 = arith.constant 0 : i32
        %dma_start3A_599 = tpu.memref_slice %arg5[%arg1, %add3A_596, %dma_start3A_597, %dma_start3A_598] : memref<16x160x2x128xi32, #tpu.memory_space<hbm>> -> memref<1x1x2x128xi32, #tpu.memory_space<hbm>>
        %dma_start3A_600 = tpu.memref_squeeze %dma_start3A_599 : memref<1x1x2x128xi32, #tpu.memory_space<hbm>> -> memref<2x128xi32, #tpu.memory_space<hbm>>
        %dma_start3A_601 = arith.constant 0 : i32
        %dma_start3A_602 = arith.constant 0 : i32
        %dma_start3A_603 = tpu.memref_slice %arg5[%arg1, %add3A_596, %dma_start3A_601, %dma_start3A_602] : memref<16x160x2x128xi32, #tpu.memory_space<hbm>> -> memref<1x1x2x128xi32, #tpu.memory_space<hbm>>
        %dma_start3A_604 = tpu.memref_squeeze %dma_start3A_603 : memref<1x1x2x128xi32, #tpu.memory_space<hbm>> -> memref<2x128xi32, #tpu.memory_space<hbm>>
        tpu.enqueue_dma source(%dma_start3A_604 : memref<2x128xi32, #tpu.memory_space<hbm>>) target(%arg16 : memref<2x128xi32, #tpu.memory_space<vmem>>) target_semaphore(%arg36 : memref<!tpu.dma_semaphore, #tpu.memory_space<semaphore_mem>>)
      } else {
      }
    }
    %scan3A_183 = arith.constant 20 : i32
    %barrier3A_184 = arith.constant 0 : index
    tpu.barrier barrier_id(%barrier3A_184)
    %dma_start3A_185 = arith.constant 0 : i32
    %dma_start3A_186 = tpu.memref_slice %arg6[%arg0, %mul3A_0, %dma_start3A_185] : memref<2x10240x32xf32, #tpu.memory_space<hbm>> -> memref<1x640x32xf32, #tpu.memory_space<hbm>>
    %dma_start3A_187 = tpu.memref_squeeze %dma_start3A_186 : memref<1x640x32xf32, #tpu.memory_space<hbm>> -> memref<640x32xf32, #tpu.memory_space<hbm>>
    %dma_start3A_188 = arith.constant 0 : i32
    %dma_start3A_189 = tpu.memref_slice %arg7[%mul3A_0, %dma_start3A_188] : memref<10240x32xf32, #tpu.memory_space<vmem_shared>> -> memref<640x32xf32, #tpu.memory_space<vmem_shared>>
    tpu.enqueue_dma source(%dma_start3A_189 : memref<640x32xf32, #tpu.memory_space<vmem_shared>>) target(%dma_start3A_187 : memref<640x32xf32, #tpu.memory_space<hbm>>) target_semaphore(%arg28 : memref<!tpu.dma_semaphore, #tpu.memory_space<semaphore_mem>>)
    %dma_wait3A_190 = arith.constant 0 : i32
    %dma_wait3A_191 = tpu.memref_slice %arg6[%arg0, %mul3A_0, %dma_wait3A_190] : memref<2x10240x32xf32, #tpu.memory_space<hbm>> -> memref<1x640x32xf32, #tpu.memory_space<hbm>>
    %dma_wait3A_192 = tpu.memref_squeeze %dma_wait3A_191 : memref<1x640x32xf32, #tpu.memory_space<hbm>> -> memref<640x32xf32, #tpu.memory_space<hbm>>
    %dma_wait3A_193 = arith.constant 0 : i32
    %dma_wait3A_194 = tpu.memref_slice %arg7[%mul3A_0, %dma_wait3A_193] : memref<10240x32xf32, #tpu.memory_space<vmem_shared>> -> memref<640x32xf32, #tpu.memory_space<vmem_shared>>
    tpu.wait_dma2 semaphore(%arg28 : memref<!tpu.dma_semaphore, #tpu.memory_space<semaphore_mem>>) src(%dma_wait3A_194 : memref<640x32xf32, #tpu.memory_space<vmem_shared>>) dst(%dma_wait3A_192 : memref<640x32xf32, #tpu.memory_space<hbm>>)
    return
  }
}

module attributes {stable_mosaic.version = 14 : i64} {
  func.func @_mm_body(%arg0: memref<10000x128xf32, #tpu.memory_space<vmem>>, %arg1: memref<64x128xf32, #tpu.memory_space<vmem>>, %arg2: memref<2x10240x32xf32, #tpu.memory_space<vmem>>) attributes {dimension_semantics = [], scalar_prefetch = 0 : i64, scratch_operands = 0 : i64, tpu.core_type = #tpu.core_type<tc>} {
    %get3A = arith.constant 0 : index
    %get3A_0 = arith.constant 0 : index
    %get3A_1 = vector.load %arg0[%get3A, %get3A_0] : memref<10000x128xf32, #tpu.memory_space<vmem>>, vector<10000x128xf32>
    %get3A_2 = arith.constant 0 : index
    %get3A_3 = arith.constant 0 : index
    %get3A_4 = vector.load %arg1[%get3A_2, %get3A_3] : memref<64x128xf32, #tpu.memory_space<vmem>>, vector<32x128xf32>
    %dot_general3A = arith.constant dense<0.000000e+00> : vector<10000x32xf32>
    %dot_general3A_5 = tpu.matmul %get3A_1, %get3A_4, %dot_general3A {dimension_numbers = #tpu.dot_dimension_numbers<[1], [1], [0], [0], [0, 0, 1, 0], [], []>, transpose_lhs_hint = false} : vector<10000x128xf32>, vector<32x128xf32>, vector<10000x32xf32> -> vector<10000x32xf32>
    %swap3A = arith.constant 0 : index
    %swap3A_6 = arith.constant 0 : index
    %swap3A_7 = arith.constant 0 : index
    %swap3A_8 = vector.load %arg2[%swap3A, %swap3A_6, %swap3A_7] : memref<2x10240x32xf32, #tpu.memory_space<vmem>>, vector<1x10000x32xf32>
    %swap3A_9 = vector.shape_cast %swap3A_8 : vector<1x10000x32xf32> to vector<10000x32xf32>
    %swap3A_10 = vector.shape_cast %dot_general3A_5 : vector<10000x32xf32> to vector<1x10000x32xf32>
    tpu.vector_store %arg2[%swap3A, %swap3A_6, %swap3A_7], %swap3A_10 {strides = array<i32>} : memref<2x10240x32xf32, #tpu.memory_space<vmem>>, vector<1x10000x32xf32>,
    %broadcast_in_dim3A = arith.constant 0.000000e+00 : f32
    %broadcast_in_dim3A_11 = vector.broadcast %broadcast_in_dim3A : f32 to vector<240x32xf32>
    %swap3A_12 = arith.constant 0 : index
    %swap3A_13 = arith.constant 10000 : index
    %swap3A_14 = arith.constant 0 : index
    %swap3A_15 = vector.load %arg2[%swap3A_12, %swap3A_13, %swap3A_14] : memref<2x10240x32xf32, #tpu.memory_space<vmem>>, vector<1x240x32xf32>
    %swap3A_16 = vector.shape_cast %swap3A_15 : vector<1x240x32xf32> to vector<240x32xf32>
    %swap3A_17 = vector.shape_cast %broadcast_in_dim3A_11 : vector<240x32xf32> to vector<1x240x32xf32>
    tpu.vector_store %arg2[%swap3A_12, %swap3A_13, %swap3A_14], %swap3A_17 {strides = array<i32>} : memref<2x10240x32xf32, #tpu.memory_space<vmem>>, vector<1x240x32xf32>,
    %get3A_18 = arith.constant 0 : index
    %get3A_19 = arith.constant 0 : index
    %get3A_20 = vector.load %arg0[%get3A_18, %get3A_19] : memref<10000x128xf32, #tpu.memory_space<vmem>>, vector<10000x128xf32>
    %get3A_21 = arith.constant 32 : index
    %get3A_22 = arith.constant 0 : index
    %get3A_23 = vector.load %arg1[%get3A_21, %get3A_22] : memref<64x128xf32, #tpu.memory_space<vmem>>, vector<32x128xf32>
    %dot_general3A_24 = arith.constant dense<0.000000e+00> : vector<10000x32xf32>
    %dot_general3A_25 = tpu.matmul %get3A_20, %get3A_23, %dot_general3A_24 {dimension_numbers = #tpu.dot_dimension_numbers<[1], [1], [0], [0], [0, 0, 1, 0], [], []>, transpose_lhs_hint = false} : vector<10000x128xf32>, vector<32x128xf32>, vector<10000x32xf32> -> vector<10000x32xf32>
    %swap3A_26 = arith.constant 1 : index
    %swap3A_27 = arith.constant 0 : index
    %swap3A_28 = arith.constant 0 : index
    %swap3A_29 = vector.load %arg2[%swap3A_26, %swap3A_27, %swap3A_28] : memref<2x10240x32xf32, #tpu.memory_space<vmem>>, vector<1x10000x32xf32>
    %swap3A_30 = vector.shape_cast %swap3A_29 : vector<1x10000x32xf32> to vector<10000x32xf32>
    %swap3A_31 = vector.shape_cast %dot_general3A_25 : vector<10000x32xf32> to vector<1x10000x32xf32>
    tpu.vector_store %arg2[%swap3A_26, %swap3A_27, %swap3A_28], %swap3A_31 {strides = array<i32>} : memref<2x10240x32xf32, #tpu.memory_space<vmem>>, vector<1x10000x32xf32>,
    %broadcast_in_dim3A_32 = arith.constant 0.000000e+00 : f32
    %broadcast_in_dim3A_33 = vector.broadcast %broadcast_in_dim3A_32 : f32 to vector<240x32xf32>
    %swap3A_34 = arith.constant 1 : index
    %swap3A_35 = arith.constant 10000 : index
    %swap3A_36 = arith.constant 0 : index
    %swap3A_37 = vector.load %arg2[%swap3A_34, %swap3A_35, %swap3A_36] : memref<2x10240x32xf32, #tpu.memory_space<vmem>>, vector<1x240x32xf32>
    %swap3A_38 = vector.shape_cast %swap3A_37 : vector<1x240x32xf32> to vector<240x32xf32>
    %swap3A_39 = vector.shape_cast %broadcast_in_dim3A_33 : vector<240x32xf32> to vector<1x240x32xf32>
    tpu.vector_store %arg2[%swap3A_34, %swap3A_35, %swap3A_36], %swap3A_39 {strides = array<i32>} : memref<2x10240x32xf32, #tpu.memory_space<vmem>>, vector<1x240x32xf32>,
    return
  }
}

</mosaic_0001>

<sc_bundles>
// kernel: kernel.4.cloned.1.call-start
scs
__scs_entry_jumppad:
0x0: {  	(pc) =	sbr.rel $0x88, $3  }
0x1: {  	(tag) =	ssettag $0x0;
	lr =	simm.s32 $0x1  }
0x2: {  	[smem:$0x3F9D] =	sst lr;
	_ =	strace $0xD0000000  }
0x3: {  	_ = 	snop  }
0x4: {  	_ = 	snop  }
0x5: {  	_ = 	snop  }
0x6: {  	_ = 	snop  }
0x7: {  	_ = 	snop  }
__scs_overlays_trampoline_lowered:
0x8: {  	[smem:$0x3FAC] =	sst s0  }
0x9: {  	[smem:$0x3FAD] =	sst s1  }
0xa: {  	[smem:$0x3FAE] =	sst s2  }
0xb: {  	[smem:$0x3FAF] =	sst s3  }
0xc: {  	[smem:$0x3FB0] =	sst s4  }
0xd: {  	[smem:$0x3FB1] =	sst s5  }
0xe: {  	[smem:$0x3FB2] =	sst s6  }
0xf: {  	[smem:$0x3FB3] =	sst s7  }
0x10: {  	[smem:$0x3FB4] =	sst s8  }
0x11: {  	[smem:$0x3FB5] =	sst s9;
	s0 =	simm.s32 @!p0 $0x0  }
0x12: {  	s1 =	sld [smem:$0x3F9B];
	s0 =	simm.s32 @p0 $0x1  }
0x13: {  	[smem:$0x3FB6] =	sst s0;
	s0 =	simm.s32 @!p1 $0x0  }
0x14: {  	s2 =	sld [smem:$0x3F9A];
	s0 =	simm.s32 @p1 $0x1  }
0x15: {  	[smem:$0x3FB7] =	sst s0;
	s0 =	simm.s32 @!p2 $0x0  }
0x16: {  	s3 =	sld [smem:$0x3FDB];
	s0 =	simm.s32 @p2 $0x1  }
0x17: {  	s4 =	simm.s32 $0x1BF5;
	[smem:$0x3FB9] =	sst s0  }
0x18: {  	s0 =	sld [smem:$0x3F9C];
	_ =	swait.ge [sflag:s4], $0x0  }
0x19: {  	s7 =	sld [smem:$0x3F9D]  }
0x1a: {  	s8 =	sadd.s32 $0xFFFFE003, lr  }
0x1b: {  	s9 =	sadd.s32 $0xFFFFFEF7, lr;
	s5 =	simm.s32 $0xFFFFFFFF;
	p2 =	slt.u32 s8, $0xFFFFF086  }
0x1c: {  	p1 =	slt.u32 s9, $0xF7A;
	s5 =	simm.s32 @!p2 $0x0  }
0x1d: {  	s5 =	simm.s32 @p1 $0x1;
	p0 =	seq.s32 s7, s2  }
0x1e: {  	s7 =	smul.u32 @!p0 $0xF7A, s2;
	p2 =	seq.s32 @!p0 s5, $0x0  }
0x1f: {  	s9 =	smul.u32 $0xF7A, s1;
	s8 =	simm.s32 @!p0 $0x1BF5;
	p2 =	por !p2, p0  }
0x20: {  	[sflag:s8] =	ssyncset.s32 @!p0 $0xFFFFF086;
	s6 =	sadd.s32 @!p0 s3, s7;
	s7 =	simm.s32 @!p0 $0x108  }
0x21: {  	s3 =	sadd.s32 s3, s9;
	s6 =	sadd.s32 @!p0 $0x88, s6;
	s7 =	simm.s32 @p2 $0x1082  }
0x22: {  	[simem:s7], [sflag:s8] =	dma.local @!p0 [hbm:s6], $0xF7A  }
0x23: {  	s9 =	sor.u32 $0xD0000000, s2;
	s6 =	simm.s32 $0x108;
	_ =	swait.ge @!p0 [sflag:s8], $0x0  }
0x24: {  	s3 =	sadd.s32 $0x88, s3;
	s6 =	simm.s32 @!p1 $0x1082;
	[sflag:s4] =	ssyncset.s32 $0xFFFFF086  }
0x25: {  	[simem:s6], [sflag:s4] =	dma.local [hbm:s3], $0xF7A  }
0x26: {  	[smem:$0x3F9D] =	sst s1;
	(tag) =	ssettag s2;
	_ =	strace s9  }
0x27: {  	s1 =	sld [smem:$0x3FAD]  }
0x28: {  	s2 =	sld [smem:$0x3FAE]  }
0x29: {  	s4 =	sld [smem:$0x3FB0]  }
0x2a: {  	p0 =	seq.s32 s5, $0x0;
	s5 =	sld [smem:$0x3FB1]  }
0x2b: {  	s6 =	sld [smem:$0x3FB2]  }
0x2c: {  	s7 =	sld [smem:$0x3FB3]  }
0x2d: {  	s3 =	simm.s32 $0x108;
	s8 =	sld [smem:$0x3FB4]  }
0x2e: {  	s3 =	simm.s32 @!p0 $0x1082;
	s9 =	sld [smem:$0x3FB5]  }
0x2f: {  	lr =	sadd.s32 s0, s3;
	s0 =	sld [smem:$0x3FAC]  }
0x30: {  	s3 =	sld [smem:$0x3FAF]  }
0x31: {  	[smem:$0x3FB8] =	sst s10  }
0x32: {  	s10 =	sld [smem:$0x3FB6];
	_ =	sdelay $0x3  }
0x33: {  	p0 =	seq.s32 s10, $0x1;
	s10 =	sld [smem:$0x3FB8];
	_ =	sdelay $0x3  }
0x34: {  	[smem:$0x3FB8] =	sst s10  }
0x35: {  	s10 =	sld [smem:$0x3FB7];
	_ =	sdelay $0x3  }
0x36: {  	p1 =	seq.s32 s10, $0x1;
	s10 =	sld [smem:$0x3FB8];
	_ =	sdelay $0x3  }
0x37: {  	[smem:$0x3FB8] =	sst s10  }
0x38: {  	s10 =	sld [smem:$0x3FB9]  }
0x39: {  	_ = 	snop;
	(pc) =	sbr.ind lr, $3  }
0x3a: {  	_ = 	snop  }
0x3b: {  	_ = 	snop  }
0x3c: {  	p2 =	seq.s32 s10, $0x1;
	s10 =	sld [smem:$0x3FB8]  }
0x3d: {  	_ =	shalt  }
0x3e: {  	_ =	shalt  }
0x3f: {  	_ =	shalt  }
0x40: {  	_ =	shalt  }
0x41: {  	_ =	shalt  }
0x42: {  	_ =	shalt  }
0x43: {  	_ =	shalt  }
0x44: {  	_ =	shalt  }
0x45: {  	_ =	shalt  }
0x46: {  	_ =	shalt  }
0x47: {  	_ =	shalt  }
0x48: {  	_ =	shalt  }
0x49: {  	_ =	shalt  }
0x4a: {  	_ =	shalt  }
0x4b: {  	_ =	shalt  }
0x4c: {  	_ =	shalt  }
0x4d: {  	_ =	shalt  }
0x4e: {  	_ =	shalt  }
0x4f: {  	_ =	shalt  }
0x50: {  	_ =	shalt  }
0x51: {  	_ =	shalt  }
0x52: {  	_ =	shalt  }
0x53: {  	_ =	shalt  }
0x54: {  	_ =	shalt  }
0x55: {  	_ =	shalt  }
0x56: {  	_ =	shalt  }
0x57: {  	_ =	shalt  }
0x58: {  	_ =	shalt  }
0x59: {  	_ =	shalt  }
0x5a: {  	_ =	shalt  }
0x5b: {  	_ =	shalt  }
0x5c: {  	_ =	shalt  }
0x5d: {  	_ =	shalt  }
0x5e: {  	_ =	shalt  }
0x5f: {  	_ =	shalt  }
0x60: {  	_ =	shalt  }
0x61: {  	_ =	shalt  }
0x62: {  	_ =	shalt  }
0x63: {  	_ =	shalt  }
0x64: {  	_ =	shalt  }
0x65: {  	_ =	shalt  }
0x66: {  	_ =	shalt  }
0x67: {  	_ =	shalt  }
0x68: {  	_ =	shalt  }
0x69: {  	_ =	shalt  }
0x6a: {  	_ =	shalt  }
0x6b: {  	_ =	shalt  }
0x6c: {  	_ =	shalt  }
0x6d: {  	_ =	shalt  }
0x6e: {  	_ =	shalt  }
0x6f: {  	_ =	shalt  }
0x70: {  	_ =	shalt  }
0x71: {  	_ =	shalt  }
0x72: {  	_ =	shalt  }
0x73: {  	_ =	shalt  }
0x74: {  	_ =	shalt  }
0x75: {  	_ =	shalt  }
0x76: {  	_ =	shalt  }
0x77: {  	_ =	shalt  }
0x78: {  	_ =	shalt  }
0x79: {  	_ =	shalt  }
0x7a: {  	_ =	shalt  }
0x7b: {  	_ =	shalt  }
0x7c: {  	_ =	shalt  }
0x7d: {  	_ =	shalt  }
0x7e: {  	_ =	shalt  }
0x7f: {  	_ =	shalt  }
0x80: {  	_ =	shalt  }
0x81: {  	_ =	shalt  }
0x82: {  	_ =	shalt  }
0x83: {  	_ =	shalt  }
0x84: {  	_ =	shalt  }
0x85: {  	_ =	shalt  }
0x86: {  	_ =	shalt  }
0x87: {  	_ =	shalt  }
.Lfunc_end0:
.L_simem_size_0:
called_computation_lowered:
.L_overlay_start_0:
0x88: {  	s2 =	sld [smem:$0x3FD9]  }
0x89: {  	s3 =	sld [smem:$0x3FFE];
	_ =	sdelay $0x1  }
0x8a: {  	s1 =	srdreg.scid  }
0x8b: {  	s0 =	sand.u32 $0x1, s1  }
0x8c: {  	s17 =	sshll.u32 s0, $0xA;
	s2 =	sadd.s32 s3, s2  }
0x8d: {  	s2 =	sadd.s32 s2, s17  }
0x8e: {  	[smem:$0x3FC4] =	sst s2  }
0x8f: {  	_ = 	snop  }
0x90: {  	s2 =	sld [smem:$0x3FD0];
	(tm) =	ssettm $0x1  }
0x91: {  	s18 =	sld [smem:$0x3FFB];
	_ =	sdelay $0x3  }
0x92: {  	_ =	strace s18  }
0x93: {  	s3 =	sld [smem:$0x3FFC];
	_ =	sdelay $0x3  }
0x94: {  	_ =	strace s3  }
0x95: {  	s3 =	sld [smem:$0x3FFD];
	_ =	sdelay $0x3  }
0x96: {  	_ =	strace s3  }
0x97: {  	_ =	strace $0x8FFFFFFF  }
0x98: {  	s19 =	sld [smem:$0x3FDB];
	_ =	sdelay $0x1  }
0x99: {  	s4 =	simm.s32 $_scs_section_size  }
0x9a: {  	s5 =	simm.s32 $_size__tile_overlayer_lowered;
	s6 =	simm.s32 $_tile_overlayer_lowered  }
0x9b: {  	s22 =	simm.s32 $0x1BFF;
	s21 =	sshll.u32 s6, $0x1;
	s3 =	sadd.s32 s4, s19  }
0x9c: {  	s7 =	simm.s32 $0x0;
	s20 =	sshll.u32 s5, $0x1;
	s5 =	sadd.s32 s21, s3  }
0x9d: {  	[timem:s7], [sflag:s22] =	dma.local [hbm:s5], s20  }
0x9e: {  	_ =	swait.ge [sflag:s22], s20  }
0x9f: {  	s4 =	ssub.s32 $0x0, s20;
	[sflag:s22] =	ssyncset.done $0x0  }
0xa0: {  	[sflag:s22] =	ssyncadd.s32 s4;
	_ =	sdelay $0x1  }
0xa1: {  	s23 =	simm.s32 $0x1B8B  }
0xa2: {  	_ =	swait.ge [sflag:s23], $0x1  }
0xa3: {  	[sflag:s23] =	ssyncset.done $0x0  }
0xa4: {  	s25 =	simm.s32 $0x1B8E;
	s24 =	sld [smem:$0x3FFE];
	[sflag:s23] =	ssyncadd.s32 $0xFFFFFFFF  }
0xa5: {  	s26 =	simm.s32 $execute0_lowered;
	[smem:$0x3FD2] =	sst s25  }
0xa6: {  	s5 =	sshll.u32 s26, $0x1;
	_ =	strace $0x80000046;
	[dreg:$0x1] =	wrdreg $0xFFFFFFFF  }
0xa7: {  	s28 =	simm.s32 $_size_execute0_lowered;
	s3 =	sadd.s32 s3, s5;
	[dreg:$0x0] =	wrdreg $0x0  }
0xa8: {  	s5 =	sshll.u32 s28, $0x1;
	[dreg:$0x2] =	wrdreg s3  }
0xa9: {  	[dreg:$0x3] =	wrdreg s5  }
0xaa: {  	[dreg:$0x4] =	wrdreg $0xC0  }
0xab: {  	_ =	task [dreg:s7], $0x5FFFF  }
0xac: {  	[dreg:$0x1] =	wrdreg $0xFFFFFFFF  }
0xad: {  	[dreg:$0x0] =	wrdreg $0x60  }
0xae: {  	[dreg:$0x2] =	wrdreg s24  }
0xaf: {  	[dreg:$0x3] =	wrdreg s2  }
0xb0: {  	[dreg:$0x4] =	wrdreg $0x0  }
0xb1: {  	[dreg:$0x5] =	wrdreg $0x50000  }
0xb2: {  	[dreg:$0x6] =	wrdreg $0x9  }
0xb3: {  	_ =	task.clear_ibuf [dreg:s7], $0x7FFFF;
	_ =	strace $0x90000046  }
0xb4: {  	s29 =	simm.s32 $0x9;
	_ =	strace $0x80000048  }
0xb5: {  	_ =	swait.ge [sflag:s29], $0x1  }
0xb6: {  	[sflag:s29] =	ssyncadd.s32 $0xFFFFFFFF  }
0xb7: {  	_ =	strace $0x90000048  }
0xb8: {  	_ =	sfence  }
0xb9: {  	s30 =	sld [smem:$0x0];
	_ =	sdelay $0x2  }
0xba: {  	s31 =	sshll.u32 s1, $0xD;
	s1 =	sshrl.u32 s1, $0x2  }
0xbb: {  	s3 =	sand.u32 $0x4000, s31;
	s1 =	sadd.s32 s1, s30  }
0xbc: {  	s0 =	sor.u32 s3, s0;
	s1 =	sshll.u32 s1, $0x11  }
0xbd: {  	s0 =	sor.u32 s1, s0  }
0xbe: {  	s0 =	sadd.s32 $0x8F2B, s0  }
0xbf: {  	[sflag:s0] =	ssyncadd.remote.s32 $0x1  }
0xc0: {  	_ =	sfence.sel $0xFFFF  }
0xc1: {  	[dreg:$0x0] =	wrdreg $0xFFFFFFFF;
	(pc) =	sbr.abs _section_cstart, $3  }
0xc2: {  	[dreg:$0x1] =	wrdreg $0xFFFFFFFF  }
0xc3: {  	_ =	task.clear_ibuf [dreg:s7], $0x2FFFF;
	_ =	strace $0x9FFFFFFF  }
0xc4: {  	(tm) =	ssettm $0x7FFFFFFF  }
0xc5: {  	_ =	shalt  }
tec
execute0_lowered:
.L_overlay_start_1:
0x0: {  	(tag) =	ssettag $0x1  }
0x1: {  	s0 =	rddreg [dreg:$0x0]  }
0x2: {  	s1 =	rddreg [dreg:$0x1]  }
0x3: {  	s2 =	rddreg [dreg:$0x2]  }
0x4: {  	s4 =	srdreg.scid;
	s11 =	stileid.u32  }
0x5: {  	s3 =	rddreg [dreg:$0x3];
	s28 =	simm.s32 $0x13;
	s29 =	simm.s32 $0x14  }
0x6: {  	s30 =	simm.s32 $0x15;
	s31 =	simm.s32 $0x16;
	s6 =	smul.u32 $0x5000, s11  }
0x7: {  	s5 =	sand.u32 $0x1, s4;
	s4 =	simm.s32 $0x0;
	s25 =	smul.u32 $0xA000, s11  }
0x8: {  	s8 =	sadd.s32 $0x28A00, s0;
	s12 =	sshll.u32 s11, $0x6;
	s20 =	smul.u32 $0x1400, s11  }
0x9: {  	s11 =	simm.s32 $0x1C;
	s7 =	smul.u32 $0x50000, s5;
	[smem:$0x7FF] =	sst s4  }
0xa: {  	s5 =	ssub.s32 $0x2, s5;
	s13 =	sor.u32 $0x1C01, s12;
	_ =	strace $0x80000047  }
0xb: {  	s9 =	sshrl.u32 s5, $0x1;
	s26 =	sadd.s32 s6, s2;
	[dreg:$0x7] =	wrdreg s13  }
0xc: {  	s14 =	sshrl.u32 s6, $0x3;
	s24 =	sadd.s32 s20, s8;
	[dreg:$0x6] =	wrdreg s12  }
0xd: {  	s20 =	simm.s32 $0x11800;
	s7 =	sadd.s32 s6, s7;
	s5 =	ssub.s32 s5, s9  }
0xe: {  	s6 =	sadd.s32 s6, s3;
	s1 =	sadd.s32 s1, s14;
	[dreg:$0x14] =	wrdreg s24  }
0xf: {  	s13 =	sshrl.u32 s26, $0x3;
	s14 =	simm.s32 $0xA700;
	[dreg:$0x8] =	wrdreg s1  }
0x10: {  	s7 =	sshrl.u32 s7, $0x3;
	s23 =	smax.u32 s5, $0x1;
	[dreg:$0x15] =	wrdreg s13  }
0x11: {  	s26 =	sshrl.u32 s6, $0x3;
	s0 =	sadd.s32 s7, s0;
	[dreg:$0x13] =	wrdreg s23  }
0x12: {  	s7 =	sshrl.u32 s25, $0x3;
	s25 =	sor.u32 $0x1C02, s12;
	[dreg:$0x17] =	wrdreg s26  }
0x13: {  	s9 =	simm.s32 $0xC;
	s10 =	sadd.s32 $0x14A00, s0;
	[dreg:$0x16] =	wrdreg s25  }
0x14: {  	s24 =	simm.s32 $0xF;
	s7 =	sadd.s32 s8, s7;
	[dreg:$0x5] =	wrdreg s10  }
0x15: {  	s1 =	simm.s32 $0x17;
	s22 =	sadd.s32 $0xA00, s0;
	[dreg:$0x9] =	wrdreg s7  }
0x16: {  	s5 =	simm.s32 $0x1B;
	s0 =	sadd.s32 $0x3CA00, s0;
	[dreg:$0x11] =	wrdreg s22  }
0x17: {  	s12 =	simm.s32 $0xA600;
	s15 =	sadd.s32 $0x20, s7;
	[dreg:$0x12] =	wrdreg s0  }
0x18: {  	s26 =	simm.s32 $0x12;
	s16 =	sadd.s32 $0x40, s7;
	[dreg:$0xa] =	wrdreg s15  }
0x19: {  	s23 =	simm.s32 $0x1A;
	s17 =	sadd.s32 $0x60, s7;
	[dreg:$0xb] =	wrdreg s16  }
0x1a: {  	s8 =	simm.s32 $0x80;
	s18 =	sadd.s32 $0x80, s7;
	[dreg:$0xc] =	wrdreg s17  }
0x1b: {  	s25 =	simm.s32 $0x11;
	s19 =	sadd.s32 $0xA0, s7;
	[dreg:$0xd] =	wrdreg s18  }
.Ltmp0:
0x1c: {  	s21 =	sadd.s32 $0xC0, s7;
	[dreg:$0xe] =	wrdreg s19;
	(pc) =	sbr.rel .LBB2_1-.Ltmp0, $4  }
0x1d: {  	s7 =	sadd.s32 $0xE0, s7;
	s22 =	simm.s32 $0xA300;
	[dreg:$0xf] =	wrdreg s21  }
0x1e: {  	s0 =	simm.s32 $0xA400;
	s10 =	simm.s32 $0xA500;
	[dreg:$0x10] =	wrdreg s7  }
0x1f: {  	s7 =	simm.s32 $0xA100;
	s18 =	simm.s32 $0xA200;
	s21 =	simm.s32 $0xA680  }
0x20: {  	s17 =	simm.s32 $0x18;
	s19 =	simm.s32 $0x19;
	s15 =	simm.s32 $0x0  }
.LBB2_7:
0x21: {  	[bflag:$0x0] =	sbarrier.arrive $0xFFFF  }
0x22: {  	s6 =	rddreg [dreg:$0x6]  }
0x23: {  	s13 =	rddreg [dreg:$0x12]  }
0x24: {  	s0 =	simm.s32 $0x4;
	s16 =	rddreg [dreg:$0x15];
	s6 =	sor.u32 $0x1C04, s6  }
0x25: {  	[hbm:s13], [sflag:s6] =	dma.local [spmem:s16], $0xA00  }
0x26: {  	_ =	swait.ge [sflag:s0], $0xA00  }
0x27: {  	s15 =	rddreg [dreg:$0x18]  }
0x28: {  	s22 =	rddreg [dreg:$0x13];
	s15 =	sadd.s32 $0x1, s15  }
0x29: {  	p0 =	sne.s32 s15, s22  }
.Ltmp1:
0x2a: {  	_ = 	snop;
	(pc) =	sbr.rel @!p0 .LBB2_8-.Ltmp1, $4  }
0x2b: {  	s7 =	simm.s32 $0xA100  }
0x2c: {  	s18 =	simm.s32 $0xA200;
	s10 =	simm.s32 $0xA500;
	s12 =	simm.s32 $0xA600  }
0x2d: {  	s14 =	simm.s32 $0xA700;
	s13 =	smov.u32 s16;
	[sflag:s0] =	ssyncset.done $0x0  }
0x2e: {  	[sflag:s0] =	ssyncadd.s32 $0xFFFFF600;
	s0 =	simm.s32 $0xA400;
	s22 =	simm.s32 $0xA300  }
.LBB2_1:
0x2f: {  	[dreg:$0x18] =	wrdreg s15  }
0x30: {  	s6 =	rddreg [dreg:$0x5]  }
0x31: {  	s16 =	smov.u32 s13;
	s15 =	rddreg [dreg:$0x7]  }
0x32: {  	[spmem:s16], [sflag:s15] =	dma.local [hbm:s6], $0xA00  }
0x33: {  	s6 =	rddreg [dreg:$0x8]  }
0x34: {  	s13 =	rddreg [dreg:$0x16]  }
0x35: {  	s16 =	rddreg [dreg:$0x17]  }
0x36: {  	[spmem:s16], [sflag:s13] =	dma.local [hbm:s6], $0xA00  }
0x37: {  	s16 =	simm.s32 $0xA000;
	s6 =	rddreg [dreg:$0x9]  }
0x38: {  	[tilespmem:s16], [sflag:$0x5] =	stream.linear.gather [hbm4b:s6+s4], $0x100, $0x38;
	[tilespmem:$0x12800] =	vst v63  }
0x39: {  	s15 =	rddreg [dreg:$0xa]  }
0x3a: {  	[tilespmem:s7], [sflag:$0x6] =	stream.linear.gather [hbm4b:s15+s4], $0x100, $0x38;
	[tilespmem:$0x12800] =	vst v63  }
0x3b: {  	s13 =	rddreg [dreg:$0xb]  }
0x3c: {  	[tilespmem:s18], [sflag:$0x7] =	stream.linear.gather [hbm4b:s13+s4], $0x100, $0x38;
	[tilespmem:$0x12800] =	vst v63  }
0x3d: {  	s15 =	rddreg [dreg:$0xc]  }
0x3e: {  	[tilespmem:s22], [sflag:$0x8] =	stream.linear.gather [hbm4b:s15+s4], $0x100, $0x38;
	[tilespmem:$0x12800] =	vst v63  }
0x3f: {  	s13 =	rddreg [dreg:$0xd]  }
0x40: {  	[tilespmem:s0], [sflag:$0x9] =	stream.linear.gather [hbm4b:s13+s4], $0x100, $0x38;
	[tilespmem:$0x12800] =	vst v63  }
0x41: {  	s15 =	rddreg [dreg:$0xe]  }
0x42: {  	[tilespmem:s10], [sflag:$0xA] =	stream.linear.gather [hbm4b:s15+s4], $0x100, $0x38;
	[tilespmem:$0x12800] =	vst v63  }
0x43: {  	s13 =	rddreg [dreg:$0xf]  }
0x44: {  	[tilespmem:s12], [sflag:$0xB] =	stream.linear.gather [hbm4b:s13+s4], $0x100, $0x38;
	[tilespmem:$0x12800] =	vst v63  }
0x45: {  	s15 =	rddreg [dreg:$0x10];
	s13 =	simm.s32 $0x1  }
0x46: {  	[tilespmem:s14], [sflag:$0xC] =	stream.linear.gather [hbm4b:s15+s4], $0x100, $0x38;
	[tilespmem:$0x12800] =	vst v63  }
0x47: {  	_ =	swait.ge [sflag:s13], $0xA00  }
0x48: {  	[sflag:s13] =	ssyncset.done $0x0  }
0x49: {  	s15 =	simm.s32 $0x2;
	[sflag:s13] =	ssyncadd.s32 $0xFFFFF600  }
0x4a: {  	_ =	swait.ge [sflag:s15], $0xA00  }
0x4b: {  	[sflag:s15] =	ssyncset.done $0x0  }
0x4c: {  	[sflag:s15] =	ssyncadd.s32 $0xFFFFF600  }
0x4d: {  	s13 =	simm.s32 $0x0;
	[bflag:$0x0] =	sbarrier.arrive $0xFFFF  }
.LBB2_2:
0x4e: {  	s6 =	simm.s32 $0x5  }
0x4f: {  	_ =	swait.ge [sflag:s6], $0x100  }
0x50: {  	[sflag:s6] =	ssyncset.done $0x0  }
0x51: {  	s15 =	simm.s32 $0x6;
	[sflag:s6] =	ssyncadd.s32 $0xFFFFFF00;
	s6 =	simm.s32 $0xA800  }
0x52: {  	[tilespmem:s6], [sflag:$0xD] =	stream.indirect.gather [spmem:s2], $0x20, s16, s8, $0xb8;
	[tilespmem:$0x12800] =	vst v63  }
0x53: {  	_ =	swait.ge [sflag:s15], $0x100  }
0x54: {  	[sflag:s15] =	ssyncset.done $0x0  }
0x55: {  	s16 =	simm.s32 $0x7;
	[sflag:s15] =	ssyncadd.s32 $0xFFFFFF00;
	s15 =	simm.s32 $0xB800  }
0x56: {  	[tilespmem:s15], [sflag:$0xE] =	stream.indirect.gather [spmem:s2], $0x20, s7, s8, $0xb8;
	[tilespmem:$0x12800] =	vst v63  }
0x57: {  	_ =	swait.ge [sflag:s16], $0x100  }
0x58: {  	[sflag:s16] =	ssyncset.done $0x0  }
0x59: {  	s7 =	simm.s32 $0xC800;
	[sflag:s16] =	ssyncadd.s32 $0xFFFFFF00  }
0x5a: {  	[tilespmem:s7], [sflag:$0xF] =	stream.indirect.gather [spmem:s2], $0x20, s18, s8, $0xb8;
	[tilespmem:$0x12800] =	vst v63  }
0x5b: {  	s18 =	simm.s32 $0x8  }
0x5c: {  	_ =	swait.ge [sflag:s18], $0x100  }
0x5d: {  	[sflag:s18] =	ssyncset.done $0x0  }
0x5e: {  	s16 =	simm.s32 $0xD800;
	[sflag:s18] =	ssyncadd.s32 $0xFFFFFF00  }
0x5f: {  	[tilespmem:s16], [sflag:$0x10] =	stream.indirect.gather [spmem:s2], $0x20, s22, s8, $0xb8;
	[tilespmem:$0x12800] =	vst v63  }
0x60: {  	s22 =	simm.s32 $0x9  }
0x61: {  	_ =	swait.ge [sflag:s22], $0x100  }
0x62: {  	[sflag:s22] =	ssyncset.done $0x0  }
0x63: {  	s18 =	simm.s32 $0xE800;
	[sflag:s22] =	ssyncadd.s32 $0xFFFFFF00;
	s22 =	simm.s32 $0xA  }
0x64: {  	[tilespmem:s18], [sflag:$0x11] =	stream.indirect.gather [spmem:s2], $0x20, s0, s8, $0xb8;
	[tilespmem:$0x12800] =	vst v63  }
0x65: {  	_ =	swait.ge [sflag:s22], $0x100  }
0x66: {  	[sflag:s22] =	ssyncset.done $0x0  }
0x67: {  	s0 =	simm.s32 $0xF800;
	[sflag:s22] =	ssyncadd.s32 $0xFFFFFF00;
	s22 =	simm.s32 $0xB  }
0x68: {  	[tilespmem:s0], [sflag:$0x12] =	stream.indirect.gather [spmem:s2], $0x20, s10, s8, $0xb8;
	[tilespmem:$0x12800] =	vst v63  }
0x69: {  	_ =	swait.ge [sflag:s22], $0x100  }
0x6a: {  	[sflag:s22] =	ssyncset.done $0x0  }
0x6b: {  	s10 =	simm.s32 $0x10800;
	[sflag:s22] =	ssyncadd.s32 $0xFFFFFF00  }
0x6c: {  	[tilespmem:s10], [sflag:$0x13] =	stream.indirect.gather [spmem:s2], $0x20, s12, s8, $0xb8;
	[tilespmem:$0x12800] =	vst v63  }
0x6d: {  	_ =	swait.ge [sflag:s9], $0x100  }
0x6e: {  	[sflag:s9] =	ssyncset.done $0x0  }
0x6f: {  	[sflag:s9] =	ssyncadd.s32 $0xFFFFFF00  }
0x70: {  	[tilespmem:s20], [sflag:$0x14] =	stream.indirect.gather [spmem:s2], $0x20, s14, s8, $0xb8;
	[tilespmem:$0x12800] =	vst v63  }
0x71: {  	s14 =	simm.s32 $0xD  }
0x72: {  	_ =	swait.ge [sflag:s14], $0x1000  }
0x73: {  	[sflag:s14] =	ssyncset.done $0x0  }
0x74: {  	s22 =	simm.s32 $0xA080;
	[sflag:s14] =	ssyncadd.s32 $0xFFFFF000;
	s14 =	simm.s32 $0xE  }
0x75: {  	[spmem:s3] =	stream.indirect.scatter.add.f32 [tilespmem:s6], [sflag:$0x15], $0x20, s22, s8, $0xb8;
	[tilespmem:$0x12800] =	vst v63  }
0x76: {  	_ =	swait.ge [sflag:s14], $0x1000  }
0x77: {  	[sflag:s14] =	ssyncset.done $0x0  }
0x78: {  	s22 =	simm.s32 $0xA180;
	[sflag:s14] =	ssyncadd.s32 $0xFFFFF000  }
0x79: {  	[spmem:s3] =	stream.indirect.scatter.add.f32 [tilespmem:s15], [sflag:$0x16], $0x20, s22, s8, $0xb8;
	[tilespmem:$0x12800] =	vst v63  }
0x7a: {  	_ =	swait.ge [sflag:s24], $0x1000  }
0x7b: {  	[sflag:s24] =	ssyncset.done $0x0  }
0x7c: {  	s12 =	simm.s32 $0xA280;
	s14 =	simm.s32 $0x10;
	[sflag:s24] =	ssyncadd.s32 $0xFFFFF000  }
0x7d: {  	[spmem:s3] =	stream.indirect.scatter.add.f32 [tilespmem:s7], [sflag:$0x17], $0x20, s12, s8, $0xb8;
	[tilespmem:$0x12800] =	vst v63  }
0x7e: {  	_ =	swait.ge [sflag:s14], $0x1000  }
0x7f: {  	[sflag:s14] =	ssyncset.done $0x0  }
0x80: {  	s15 =	simm.s32 $0xA380;
	[sflag:s14] =	ssyncadd.s32 $0xFFFFF000  }
0x81: {  	[spmem:s3] =	stream.indirect.scatter.add.f32 [tilespmem:s16], [sflag:$0x18], $0x20, s15, s8, $0xb8;
	[tilespmem:$0x12800] =	vst v63  }
0x82: {  	_ =	swait.ge [sflag:s25], $0x1000  }
0x83: {  	[sflag:s25] =	ssyncset.done $0x0  }
0x84: {  	s16 =	simm.s32 $0xA480;
	[sflag:s25] =	ssyncadd.s32 $0xFFFFF000  }
0x85: {  	[spmem:s3] =	stream.indirect.scatter.add.f32 [tilespmem:s18], [sflag:$0x19], $0x20, s16, s8, $0xb8;
	[tilespmem:$0x12800] =	vst v63  }
0x86: {  	_ =	swait.ge [sflag:s26], $0x1000  }
0x87: {  	[sflag:s26] =	ssyncset.done $0x0  }
0x88: {  	s18 =	simm.s32 $0xA580;
	[sflag:s26] =	ssyncadd.s32 $0xFFFFF000  }
0x89: {  	[spmem:s3] =	stream.indirect.scatter.add.f32 [tilespmem:s0], [sflag:$0x1A], $0x20, s18, s8, $0xb8;
	[tilespmem:$0x12800] =	vst v63  }
0x8a: {  	_ =	swait.ge [sflag:s28], $0x1000  }
0x8b: {  	[sflag:s28] =	ssyncset.done $0x0  }
0x8c: {  	[sflag:s28] =	ssyncadd.s32 $0xFFFFF000  }
0x8d: {  	[spmem:s3] =	stream.indirect.scatter.add.f32 [tilespmem:s10], [sflag:$0x1B], $0x20, s21, s8, $0xb8;
	[tilespmem:$0x12800] =	vst v63  }
0x8e: {  	_ =	swait.ge [sflag:s29], $0x1000  }
0x8f: {  	[sflag:s29] =	ssyncset.done $0x0  }
0x90: {  	s22 =	simm.s32 $0xA780;
	[sflag:s29] =	ssyncadd.s32 $0xFFFFF000  }
0x91: {  	[spmem:s3] =	stream.indirect.scatter.add.f32 [tilespmem:s20], [sflag:$0x1C], $0x20, s22, s8, $0xb8;
	[tilespmem:$0x12800] =	vst v63  }
0x92: {  	_ =	swait.ge [sflag:s30], $0x1000  }
0x93: {  	[sflag:s30] =	ssyncset.done $0x0  }
0x94: {  	[sflag:s30] =	ssyncadd.s32 $0xFFFFF000  }
0x95: {  	_ =	swait.ge [sflag:s31], $0x1000  }
0x96: {  	[sflag:s31] =	ssyncset.done $0x0  }
0x97: {  	[sflag:s31] =	ssyncadd.s32 $0xFFFFF000  }
0x98: {  	_ =	swait.ge [sflag:s1], $0x1000  }
0x99: {  	[sflag:s1] =	ssyncset.done $0x0  }
0x9a: {  	[sflag:s1] =	ssyncadd.s32 $0xFFFFF000  }
0x9b: {  	_ =	swait.ge [sflag:s17], $0x1000  }
0x9c: {  	[sflag:s17] =	ssyncset.done $0x0  }
0x9d: {  	[sflag:s17] =	ssyncadd.s32 $0xFFFFF000  }
0x9e: {  	_ =	swait.ge [sflag:s19], $0x1000  }
0x9f: {  	[sflag:s19] =	ssyncset.done $0x0  }
0xa0: {  	[sflag:s19] =	ssyncadd.s32 $0xFFFFF000  }
0xa1: {  	_ =	swait.ge [sflag:s23], $0x1000  }
0xa2: {  	[sflag:s23] =	ssyncset.done $0x0  }
0xa3: {  	[sflag:s23] =	ssyncadd.s32 $0xFFFFF000  }
0xa4: {  	p0 =	seq.s32 s13, $0x1300;
	_ =	swait.ge [sflag:s5], $0x1000  }
.Ltmp2:
0xa5: {  	[sflag:s5] =	ssyncset.done $0x0;
	(pc) =	sbr.rel @p0 .LBB2_4-.Ltmp2, $4  }
0xa6: {  	s12 =	simm.s32 $0xA500;
	s7 =	simm.s32 $0xA000;
	[sflag:s5] =	ssyncadd.s32 $0xFFFFF000  }
0xa7: {  	s14 =	simm.s32 $0xA600;
	s15 =	simm.s32 $0xA700;
	_ =	swait.ge [sflag:s11], $0x1000  }
0xa8: {  	s0 =	simm.s32 $0xA300;
	s18 =	simm.s32 $0xA100;
	[sflag:s11] =	ssyncset.done $0x0  }
0xa9: {  	s10 =	simm.s32 $0xA400;
	s22 =	simm.s32 $0xA200;
	[sflag:s11] =	ssyncadd.s32 $0xFFFFF000  }
0xaa: {  	s6 =	rddreg [dreg:$0x14]  }
0xab: {  	s6 =	sadd.s32 s13, s6  }
0xac: {  	s16 =	sadd.s32 $0x100, s6  }
0xad: {  	[tilespmem:s7], [sflag:$0x5] =	stream.linear.gather [hbm4b:s16+s4], $0x100, $0x38;
	[tilespmem:$0x12800] =	vst v63  }
0xae: {  	s7 =	sadd.s32 $0x120, s6  }
0xaf: {  	[tilespmem:s18], [sflag:$0x6] =	stream.linear.gather [hbm4b:s7+s4], $0x100, $0x38;
	[tilespmem:$0x12800] =	vst v63  }
0xb0: {  	s18 =	sadd.s32 $0x140, s6  }
0xb1: {  	[tilespmem:s22], [sflag:$0x7] =	stream.linear.gather [hbm4b:s18+s4], $0x100, $0x38;
	[tilespmem:$0x12800] =	vst v63  }
0xb2: {  	s22 =	sadd.s32 $0x160, s6  }
0xb3: {  	[tilespmem:s0], [sflag:$0x8] =	stream.linear.gather [hbm4b:s22+s4], $0x100, $0x38;
	[tilespmem:$0x12800] =	vst v63  }
0xb4: {  	s13 =	sadd.s32 $0x100, s13;
	s7 =	sadd.s32 $0x180, s6  }
0xb5: {  	[tilespmem:s10], [sflag:$0x9] =	stream.linear.gather [hbm4b:s7+s4], $0x100, $0x38;
	[tilespmem:$0x12800] =	vst v63  }
0xb6: {  	s16 =	simm.s32 $0xA000;
	s18 =	sadd.s32 $0x1A0, s6;
	s22 =	sadd.s32 $0x1C0, s6  }
0xb7: {  	[tilespmem:s12], [sflag:$0xA] =	stream.linear.gather [hbm4b:s18+s4], $0x100, $0x38;
	[tilespmem:$0x12800] =	vst v63  }
.Ltmp3:
0xb8: {  	s6 =	sadd.s32 $0x1E0, s6;
	s0 =	simm.s32 $0xA400;
	(pc) =	sbr.rel .LBB2_2-.Ltmp3, $4  }
0xb9: {  	s7 =	simm.s32 $0xA100;
	s10 =	simm.s32 $0xA500;
	s18 =	simm.s32 $0xA200  }
0xba: {  	[tilespmem:s14], [sflag:$0xB] =	stream.linear.gather [hbm4b:s22+s4], $0x100, $0x38;
	[tilespmem:$0x12800] =	vst v63  }
0xbb: {  	s12 =	simm.s32 $0xA600;
	s22 =	simm.s32 $0xA300;
	s14 =	simm.s32 $0xA700  }
0xbc: {  	[tilespmem:s15], [sflag:$0xC] =	stream.linear.gather [hbm4b:s6+s4], $0x100, $0x38;
	[tilespmem:$0x12800] =	vst v63  }
.LBB2_4:
0xbd: {  	[bflag:$0x0] =	sbarrier.arrive $0xFFFF  }
0xbe: {  	s6 =	rddreg [dreg:$0x6]  }
0xbf: {  	s13 =	rddreg [dreg:$0x11]  }
0xc0: {  	s16 =	rddreg [dreg:$0x15];
	s6 =	sor.u32 $0x1C03, s6  }
0xc1: {  	[spmem:s16], [sflag:s6] =	dma.local [hbm:s13], $0xA00  }
0xc2: {  	s13 =	simm.s32 $0x0;
	s6 =	rddreg [dreg:$0x9]  }
0xc3: {  	[tilespmem:s7], [sflag:$0x5] =	stream.linear.gather [hbm4b:s6+s13], $0x100, $0x38;
	[tilespmem:$0x12800] =	vst v63  }
0xc4: {  	s24 =	rddreg [dreg:$0xa]  }
0xc5: {  	[tilespmem:s18], [sflag:$0x6] =	stream.linear.gather [hbm4b:s24+s13], $0x100, $0x38;
	[tilespmem:$0x12800] =	vst v63  }
0xc6: {  	s7 =	rddreg [dreg:$0xb]  }
0xc7: {  	[tilespmem:s22], [sflag:$0x7] =	stream.linear.gather [hbm4b:s7+s13], $0x100, $0x38;
	[tilespmem:$0x12800] =	vst v63  }
0xc8: {  	s9 =	rddreg [dreg:$0xc]  }
0xc9: {  	[tilespmem:s0], [sflag:$0x8] =	stream.linear.gather [hbm4b:s9+s13], $0x100, $0x38;
	[tilespmem:$0x12800] =	vst v63  }
0xca: {  	s16 =	rddreg [dreg:$0xd]  }
0xcb: {  	[tilespmem:s10], [sflag:$0x9] =	stream.linear.gather [hbm4b:s16+s13], $0x100, $0x38;
	[tilespmem:$0x12800] =	vst v63  }
0xcc: {  	s18 =	rddreg [dreg:$0xe]  }
0xcd: {  	[tilespmem:s12], [sflag:$0xA] =	stream.linear.gather [hbm4b:s18+s13], $0x100, $0x38;
	[tilespmem:$0x12800] =	vst v63  }
0xce: {  	s21 =	rddreg [dreg:$0xf]  }
0xcf: {  	[tilespmem:s14], [sflag:$0xB] =	stream.linear.gather [hbm4b:s21+s13], $0x100, $0x38;
	[tilespmem:$0x12800] =	vst v63  }
0xd0: {  	s24 =	simm.s32 $0x3;
	s22 =	rddreg [dreg:$0x10]  }
0xd1: {  	[tilespmem:s15], [sflag:$0xC] =	stream.linear.gather [hbm4b:s22+s13], $0x100, $0x38;
	[tilespmem:$0x12800] =	vst v63  }
0xd2: {  	_ =	swait.ge [sflag:s24], $0xA00  }
0xd3: {  	[sflag:s24] =	ssyncset.done $0x0  }
0xd4: {  	s6 =	simm.s32 $0xA000;
	s7 =	simm.s32 $0xA100;
	[sflag:s24] =	ssyncadd.s32 $0xFFFFF600  }
0xd5: {  	s0 =	simm.s32 $0xA300;
	s16 =	simm.s32 $0xA200;
	[bflag:$0x0] =	sbarrier.arrive $0xFFFF  }
.LBB2_5:
0xd6: {  	s18 =	simm.s32 $0x5  }
0xd7: {  	_ =	swait.ge [sflag:s18], $0x100  }
0xd8: {  	[sflag:s18] =	ssyncset.done $0x0  }
0xd9: {  	s24 =	simm.s32 $0x6;
	[sflag:s18] =	ssyncadd.s32 $0xFFFFFF00;
	s18 =	simm.s32 $0xA800  }
0xda: {  	[tilespmem:s18], [sflag:$0xD] =	stream.indirect.gather [spmem:s3], $0x20, s6, s8, $0xb8;
	[tilespmem:$0x12800] =	vst v63  }
0xdb: {  	_ =	swait.ge [sflag:s24], $0x100  }
0xdc: {  	[sflag:s24] =	ssyncset.done $0x0  }
0xdd: {  	s9 =	simm.s32 $0x7;
	s6 =	simm.s32 $0xB800;
	[sflag:s24] =	ssyncadd.s32 $0xFFFFFF00  }
0xde: {  	[tilespmem:s6], [sflag:$0xE] =	stream.indirect.gather [spmem:s3], $0x20, s7, s8, $0xb8;
	[tilespmem:$0x12800] =	vst v63  }
0xdf: {  	_ =	swait.ge [sflag:s9], $0x100  }
0xe0: {  	[sflag:s9] =	ssyncset.done $0x0  }
0xe1: {  	s21 =	simm.s32 $0x8;
	s7 =	simm.s32 $0xC800;
	[sflag:s9] =	ssyncadd.s32 $0xFFFFFF00  }
0xe2: {  	[tilespmem:s7], [sflag:$0xF] =	stream.indirect.gather [spmem:s3], $0x20, s16, s8, $0xb8;
	[tilespmem:$0x12800] =	vst v63  }
0xe3: {  	_ =	swait.ge [sflag:s21], $0x100  }
0xe4: {  	[sflag:s21] =	ssyncset.done $0x0  }
0xe5: {  	s22 =	simm.s32 $0x9;
	s16 =	simm.s32 $0xD800;
	[sflag:s21] =	ssyncadd.s32 $0xFFFFFF00  }
0xe6: {  	[tilespmem:s16], [sflag:$0x10] =	stream.indirect.gather [spmem:s3], $0x20, s0, s8, $0xb8;
	[tilespmem:$0x12800] =	vst v63  }
0xe7: {  	_ =	swait.ge [sflag:s22], $0x100  }
0xe8: {  	[sflag:s22] =	ssyncset.done $0x0  }
0xe9: {  	s0 =	simm.s32 $0xE800;
	[sflag:s22] =	ssyncadd.s32 $0xFFFFFF00;
	s22 =	simm.s32 $0xA  }
0xea: {  	[tilespmem:s0], [sflag:$0x11] =	stream.indirect.gather [spmem:s3], $0x20, s10, s8, $0xb8;
	[tilespmem:$0x12800] =	vst v63  }
0xeb: {  	_ =	swait.ge [sflag:s22], $0x100  }
0xec: {  	[sflag:s22] =	ssyncset.done $0x0  }
0xed: {  	s9 =	simm.s32 $0xB;
	[sflag:s22] =	ssyncadd.s32 $0xFFFFFF00;
	s22 =	simm.s32 $0xF800  }
0xee: {  	[tilespmem:s22], [sflag:$0x12] =	stream.indirect.gather [spmem:s3], $0x20, s12, s8, $0xb8;
	[tilespmem:$0x12800] =	vst v63  }
0xef: {  	_ =	swait.ge [sflag:s9], $0x100  }
0xf0: {  	[sflag:s9] =	ssyncset.done $0x0  }
0xf1: {  	s21 =	simm.s32 $0x10800;
	[sflag:s9] =	ssyncadd.s32 $0xFFFFFF00;
	s9 =	simm.s32 $0xC  }
0xf2: {  	[tilespmem:s21], [sflag:$0x13] =	stream.indirect.gather [spmem:s3], $0x20, s14, s8, $0xb8;
	[tilespmem:$0x12800] =	vst v63  }
0xf3: {  	_ =	swait.ge [sflag:s9], $0x100  }
0xf4: {  	[sflag:s9] =	ssyncset.done $0x0  }
0xf5: {  	s24 =	simm.s32 $0xD;
	[sflag:s9] =	ssyncadd.s32 $0xFFFFFF00  }
0xf6: {  	[tilespmem:s20], [sflag:$0x14] =	stream.indirect.gather [spmem:s3], $0x20, s15, s8, $0xb8;
	[tilespmem:$0x12800] =	vst v63  }
0xf7: {  	_ =	swait.ge [sflag:s24], $0x1000  }
0xf8: {  	[sflag:s24] =	ssyncset.done $0x0  }
0xf9: {  	[sflag:s24] =	ssyncadd.s32 $0xFFFFF000;
	s24 =	simm.s32 $0xA080  }
0xfa: {  	[spmem:s2] =	stream.indirect.scatter.add.f32 [tilespmem:s18], [sflag:$0x15], $0x20, s24, s8, $0xb8;
	[tilespmem:$0x12800] =	vst v63  }
0xfb: {  	s24 =	simm.s32 $0xE  }
0xfc: {  	_ =	swait.ge [sflag:s24], $0x1000  }
0xfd: {  	[sflag:s24] =	ssyncset.done $0x0  }
0xfe: {  	[sflag:s24] =	ssyncadd.s32 $0xFFFFF000;
	s24 =	simm.s32 $0xA180  }
0xff: {  	[spmem:s2] =	stream.indirect.scatter.add.f32 [tilespmem:s6], [sflag:$0x16], $0x20, s24, s8, $0xb8;
	[tilespmem:$0x12800] =	vst v63  }
0x100: {  	s24 =	simm.s32 $0xF  }
0x101: {  	_ =	swait.ge [sflag:s24], $0x1000  }
0x102: {  	[sflag:s24] =	ssyncset.done $0x0  }
0x103: {  	s18 =	simm.s32 $0xA280;
	[sflag:s24] =	ssyncadd.s32 $0xFFFFF000  }
0x104: {  	[spmem:s2] =	stream.indirect.scatter.add.f32 [tilespmem:s7], [sflag:$0x17], $0x20, s18, s8, $0xb8;
	[tilespmem:$0x12800] =	vst v63  }
0x105: {  	s7 =	simm.s32 $0x10  }
0x106: {  	_ =	swait.ge [sflag:s7], $0x1000  }
0x107: {  	[sflag:s7] =	ssyncset.done $0x0  }
0x108: {  	s18 =	simm.s32 $0xA380;
	[sflag:s7] =	ssyncadd.s32 $0xFFFFF000  }
0x109: {  	[spmem:s2] =	stream.indirect.scatter.add.f32 [tilespmem:s16], [sflag:$0x18], $0x20, s18, s8, $0xb8;
	[tilespmem:$0x12800] =	vst v63  }
0x10a: {  	_ =	swait.ge [sflag:s25], $0x1000  }
0x10b: {  	[sflag:s25] =	ssyncset.done $0x0  }
0x10c: {  	s7 =	simm.s32 $0xA480;
	[sflag:s25] =	ssyncadd.s32 $0xFFFFF000  }
0x10d: {  	[spmem:s2] =	stream.indirect.scatter.add.f32 [tilespmem:s0], [sflag:$0x19], $0x20, s7, s8, $0xb8;
	[tilespmem:$0x12800] =	vst v63  }
0x10e: {  	_ =	swait.ge [sflag:s26], $0x1000  }
0x10f: {  	[sflag:s26] =	ssyncset.done $0x0  }
0x110: {  	s16 =	simm.s32 $0xA580;
	[sflag:s26] =	ssyncadd.s32 $0xFFFFF000  }
0x111: {  	[spmem:s2] =	stream.indirect.scatter.add.f32 [tilespmem:s22], [sflag:$0x1A], $0x20, s16, s8, $0xb8;
	[tilespmem:$0x12800] =	vst v63  }
0x112: {  	_ =	swait.ge [sflag:s28], $0x1000  }
0x113: {  	[sflag:s28] =	ssyncset.done $0x0  }
0x114: {  	s18 =	simm.s32 $0xA680;
	[sflag:s28] =	ssyncadd.s32 $0xFFFFF000  }
0x115: {  	[spmem:s2] =	stream.indirect.scatter.add.f32 [tilespmem:s21], [sflag:$0x1B], $0x20, s18, s8, $0xb8;
	[tilespmem:$0x12800] =	vst v63  }
0x116: {  	_ =	swait.ge [sflag:s29], $0x1000  }
0x117: {  	[sflag:s29] =	ssyncset.done $0x0  }
0x118: {  	s20 =	simm.s32 $0x11800;
	s22 =	simm.s32 $0xA780;
	[sflag:s29] =	ssyncadd.s32 $0xFFFFF000  }
0x119: {  	[spmem:s2] =	stream.indirect.scatter.add.f32 [tilespmem:s20], [sflag:$0x1C], $0x20, s22, s8, $0xb8;
	[tilespmem:$0x12800] =	vst v63  }
0x11a: {  	_ =	swait.ge [sflag:s30], $0x1000  }
0x11b: {  	[sflag:s30] =	ssyncset.done $0x0  }
0x11c: {  	[sflag:s30] =	ssyncadd.s32 $0xFFFFF000  }
0x11d: {  	_ =	swait.ge [sflag:s31], $0x1000  }
0x11e: {  	[sflag:s31] =	ssyncset.done $0x0  }
0x11f: {  	[sflag:s31] =	ssyncadd.s32 $0xFFFFF000  }
0x120: {  	_ =	swait.ge [sflag:s1], $0x1000  }
0x121: {  	[sflag:s1] =	ssyncset.done $0x0  }
0x122: {  	[sflag:s1] =	ssyncadd.s32 $0xFFFFF000  }
0x123: {  	_ =	swait.ge [sflag:s17], $0x1000  }
0x124: {  	[sflag:s17] =	ssyncset.done $0x0  }
0x125: {  	[sflag:s17] =	ssyncadd.s32 $0xFFFFF000  }
0x126: {  	_ =	swait.ge [sflag:s19], $0x1000  }
0x127: {  	[sflag:s19] =	ssyncset.done $0x0  }
0x128: {  	[sflag:s19] =	ssyncadd.s32 $0xFFFFF000  }
0x129: {  	_ =	swait.ge [sflag:s23], $0x1000  }
0x12a: {  	[sflag:s23] =	ssyncset.done $0x0  }
0x12b: {  	[sflag:s23] =	ssyncadd.s32 $0xFFFFF000  }
0x12c: {  	p0 =	seq.s32 s13, $0x1300;
	_ =	swait.ge [sflag:s5], $0x1000  }
.Ltmp4:
0x12d: {  	[sflag:s5] =	ssyncset.done $0x0;
	(pc) =	sbr.rel @p0 .LBB2_7-.Ltmp4, $4  }
0x12e: {  	[sflag:s5] =	ssyncadd.s32 $0xFFFFF000  }
0x12f: {  	s0 =	simm.s32 $0xA300;
	_ =	swait.ge [sflag:s11], $0x1000  }
0x130: {  	s7 =	simm.s32 $0xA000;
	s21 =	simm.s32 $0xA680;
	[sflag:s11] =	ssyncset.done $0x0  }
0x131: {  	s18 =	simm.s32 $0xA100;
	s22 =	simm.s32 $0xA200;
	[sflag:s11] =	ssyncadd.s32 $0xFFFFF000  }
0x132: {  	s6 =	rddreg [dreg:$0x14]  }
0x133: {  	s6 =	sadd.s32 s13, s6  }
0x134: {  	s16 =	sadd.s32 $0x100, s6  }
0x135: {  	[tilespmem:s7], [sflag:$0x5] =	stream.linear.gather [hbm4b:s16+s4], $0x100, $0x38;
	[tilespmem:$0x12800] =	vst v63  }
0x136: {  	s7 =	sadd.s32 $0x120, s6  }
0x137: {  	[tilespmem:s18], [sflag:$0x6] =	stream.linear.gather [hbm4b:s7+s4], $0x100, $0x38;
	[tilespmem:$0x12800] =	vst v63  }
0x138: {  	s9 =	sadd.s32 $0x140, s6  }
0x139: {  	[tilespmem:s22], [sflag:$0x7] =	stream.linear.gather [hbm4b:s9+s4], $0x100, $0x38;
	[tilespmem:$0x12800] =	vst v63  }
0x13a: {  	s18 =	sadd.s32 $0x160, s6  }
0x13b: {  	[tilespmem:s0], [sflag:$0x8] =	stream.linear.gather [hbm4b:s18+s4], $0x100, $0x38;
	[tilespmem:$0x12800] =	vst v63  }
0x13c: {  	s21 =	sadd.s32 $0x180, s6  }
0x13d: {  	[tilespmem:s10], [sflag:$0x9] =	stream.linear.gather [hbm4b:s21+s4], $0x100, $0x38;
	[tilespmem:$0x12800] =	vst v63  }
0x13e: {  	s22 =	sadd.s32 $0x1A0, s6  }
0x13f: {  	[tilespmem:s12], [sflag:$0xA] =	stream.linear.gather [hbm4b:s22+s4], $0x100, $0x38;
	[tilespmem:$0x12800] =	vst v63  }
.Ltmp5:
0x140: {  	s24 =	sadd.s32 $0x1C0, s6;
	(pc) =	sbr.rel .LBB2_5-.Ltmp5, $4  }
0x141: {  	[tilespmem:s14], [sflag:$0xB] =	stream.linear.gather [hbm4b:s24+s4], $0x100, $0x38;
	[tilespmem:$0x12800] =	vst v63  }
0x142: {  	s13 =	sadd.s32 $0x100, s13;
	s16 =	simm.s32 $0xA200;
	s6 =	sadd.s32 $0x1E0, s6  }
0x143: {  	[tilespmem:s15], [sflag:$0xC] =	stream.linear.gather [hbm4b:s6+s4], $0x100, $0x38;
	[tilespmem:$0x12800] =	vst v63  }
0x144: {  	s7 =	simm.s32 $0xA100;
	s0 =	simm.s32 $0xA300;
	s6 =	simm.s32 $0xA000  }
.LBB2_8:
0x145: {  	_ =	sfence.sel $0x180000  }
0x146: {  	[bflag:$0x0] =	sbarrier.arrive $0xFFFF  }
0x147: {  	_ =	strace $0x90000047  }
0x148: {  	s0 =	stileid.u32;
	[bflag:$0x2] =	sbarrier.arrive $0xFFFF  }
0x149: {  	p0 =	sne.s32 s0, $0x0;
	s0 =	rddreg [dreg:$0x4]  }
0x14a: {  	s0 =	sadd.s32 @!p0 $0x100000, s0  }
0x14b: {  	[sflag:s0] =	ssyncadd.tile.s32 @!p0 $0x1;
	_ =	shalt  }
.Lfunc_end2:
_tile_overlayer_lowered:
.L_overlay_start_2:
0x14c: {  	(tag) =	ssettag $0x2  }
0x14d: {  	s0 =	rddreg [dreg:$0x0];
	s2 =	stileid.u32  }
0x14e: {  	s1 =	rddreg [dreg:$0x1];
	p0 =	sne.s32 s2, $0x0  }
0x14f: {  	s3 =	rddreg [dreg:$0x2];
	[bflag:$0x3] =	sbarrier.arrive $0xFFFF;
	s2 =	simm.s32 @!p0 $0x1C1D  }
0x150: {  	[timem:s3], [sflag:s2] =	dma.local @!p0 [hbm:s0], s1  }
0x151: {  	s0 =	simm.s32 @!p0 $0x1D  }
0x152: {  	_ =	swait.ge @!p0 [sflag:s0], s1  }
0x153: {  	s1 =	ssub.s32 @!p0 $0x0, s1;
	[sflag:s0] =	ssyncset.done @!p0 $0x0  }
0x154: {  	[sflag:s0] =	ssyncadd.s32 @!p0 s1  }
0x155: {  	[bflag:$0x3] =	sbarrier.arrive $0xFFFF  }
0x156: {  	_ =	shalt  }

</sc_bundles>
